<compile_context>
chip_gen: v7x
topology: tpu7x:2x2x1
jax: 0.10.2.dev20260603
libtpu: 0.0.44.dev20260713+nightly
codegen_flags: <defaults>
</compile_context>

<pallas_src>
import functools

import jax
import jax.numpy as jnp
from jax import lax
from jax.experimental import pallas as pl
from jax.experimental.pallas import tpu as pltpu
from jax.experimental.pallas import tpu_sc as plsc

B = 4096
WIN = 200
D = 128
V = 1000
H1 = 16
H2 = 32

NC = 2
NS = 16
NW = NC * NS
RPW = B // NW
CH = 16
NCH = RPW // CH
IDX_ROWS = CH * WIN // 128


def _ptable_body(embed_ref, w1r_ref, p_ref):
    e = embed_ref[...]
    for t in range(WIN // 8):
        p_ref[t] = jnp.dot(e, w1r_ref[:, t * 128:(t + 1) * 128],
                           preferred_element_type=jnp.float32)


def _ptable(embed, w1r):
    return pl.pallas_call(
        _ptable_body,
        out_shape=jax.ShapeDtypeStruct((WIN // 8, V, 128), jnp.float32),
    )(embed, w1r)


WB = 8
BQ = 4
BAND = WIN // WB
QR = B // BQ
SUB = QR // 128


def _bag_body(ids_hbm, p3_hbm, out_hbm, idx_v, rows0, rows1, acc_v,
              sem0, sem1, isem):
    wid = lax.axis_index("s") * NC + lax.axis_index("c")
    a = wid // BQ
    q = wid % BQ

    pltpu.async_copy(ids_hbm.at[pl.ds(BAND * a, BAND), pl.ds(q, 1)], idx_v,
                     isem)
    pltpu.make_async_copy(ids_hbm.at[pl.ds(0, BAND), pl.ds(0, 1)], idx_v,
                          isem).wait()

    def gat_fire(s, rows_v, sem):
        def k_body(k, carry):
            pltpu.async_copy(p3_hbm.at[idx_v.at[k, 0, s]],
                             rows_v.at[pl.ds(k * 128, 128)], sem)
            return carry

        lax.fori_loop(0, BAND, k_body, 0)

    def drain(rows_v, sem):
        pltpu.make_async_copy(p3_hbm.at[pl.ds(0, BAND * 128)], rows_v,
                              sem).wait()

    def consume(s, rows_v):
        def row_body(r, carry):
            z = jnp.zeros((16,), jnp.float32)
            for half in range(2):
                rr = r * 2 + half
                acc = [z, z, z, z]
                for u in range(BAND):
                    acc[u % 4] = acc[u % 4] + rows_v[u * 128 + rr]
                acc_v[rr] = (acc[0] + acc[1]) + (acc[2] + acc[3])
            return carry

        lax.fori_loop(0, 64, row_body, 0)
        base = a * B + q * QR + s * 128
        pltpu.sync_copy(acc_v, out_hbm.at[pl.ds(base, 128)])

    gat_fire(0, rows0, sem0)

    def super_body(i, carry):
        s0 = i * 2
        gat_fire(s0 + 1, rows1, sem1)
        drain(rows0, sem0)
        consume(s0, rows0)

        @pl.when(s0 + 2 < SUB)
        def _():
            gat_fire(s0 + 2, rows0, sem0)

        drain(rows1, sem1)
        consume(s0 + 1, rows1)
        return carry

    lax.fori_loop(0, SUB // 2, super_body, 0)


def _bag(ids4, p3):
    mesh = plsc.VectorSubcoreMesh(core_axis_name="c", subcore_axis_name="s",
                                  num_cores=NC, num_subcores=NS)
    f = functools.partial(
        pl.kernel,
        out_type=jax.ShapeDtypeStruct((WB * B, H1), jnp.float32),
        mesh=mesh,
        compiler_params=pltpu.CompilerParams(use_tc_tiling_on_sc=False),
        scratch_types=[
            pltpu.VMEM((BAND, 1, SUB, 128), jnp.int32),
            pltpu.VMEM((BAND * 128, H1), jnp.float32),
            pltpu.VMEM((BAND * 128, H1), jnp.float32),
            pltpu.VMEM((128, H1), jnp.float32),
            pltpu.SemaphoreType.DMA,
            pltpu.SemaphoreType.DMA,
            pltpu.SemaphoreType.DMA,
        ],
    )(_bag_body)
    return f(ids4, p3)


def _tail_body(h_ref, b1_ref, g1_ref, be1_ref, w2_ref, b2_ref, g2_ref,
               be2_ref, w3_ref, b3_ref, o_ref):
    h = jnp.sum(h_ref[...], axis=0) + b1_ref[...]
    m = jnp.mean(h, axis=-1, keepdims=True)
    v = jnp.mean((h - m) * (h - m), axis=-1, keepdims=True)
    h = jnp.tanh((h - m) * lax.rsqrt(v + 1e-5) * g1_ref[...] + be1_ref[...])
    h = lax.dot_general(h, w2_ref[...], (((1,), (1,)), ((), ())),
                        preferred_element_type=jnp.float32) + b2_ref[...]
    m = jnp.mean(h, axis=-1, keepdims=True)
    v = jnp.mean((h - m) * (h - m), axis=-1, keepdims=True)
    h = jnp.tanh((h - m) * lax.rsqrt(v + 1e-5) * g2_ref[...] + be2_ref[...])
    o_ref[...] = (lax.dot_general(w3_ref[...], h, (((1,), (1,)), ((), ())),
                                  preferred_element_type=jnp.float32)
                  + b3_ref[...][:, None])


def _tail(bag, b1, g1, be1, W2, b2, g2, be2, W3, b3):
    BB = 1024

    def full(*s):
        return pl.BlockSpec(s, lambda i: tuple(0 for _ in s))

    return pl.pallas_call(
        _tail_body,
        grid=(B // BB,),
        in_specs=[
            pl.BlockSpec((WB, BB, H1), lambda i: (0, i, 0)),
            full(H1), full(H1), full(H1),
            full(H2, H1), full(H2), full(H2), full(H2),
            full(V, H2), full(V),
        ],
        out_specs=pl.BlockSpec((V, BB), lambda i: (0, i)),
        out_shape=jax.ShapeDtypeStruct((V, B), jnp.float32),
    )(bag, b1, g1, be1, W2, b2, g2, be2, W3, b3)


def kernel(x, embed, W1, b1, g1, be1, W2, b2, g2, be2, W3, b3):
    xct = jnp.clip(x.T, 0, V - 1).astype(jnp.int32)
    w_of = lax.broadcasted_iota(jnp.int32, (WIN, B), 0)
    offw = (w_of // 8) * (8 * V) + w_of % 8
    ids4 = (xct * 8 + offw).reshape(WIN, BQ, SUB, 128)
    w1r = jnp.transpose(W1.reshape(H1, WIN, D), (2, 1, 0)).reshape(D, WIN * H1)
    p = _ptable(embed.astype(jnp.bfloat16), w1r.astype(jnp.bfloat16))
    p3 = p.reshape(25 * V, 128).reshape(V * WIN, H1)
    bagp = _bag(ids4, p3).reshape(WB, B, H1)
    out_t = _tail(bagp, b1, g1, be1, W2, b2, g2, be2, W3, b3)
    return out_t.T

# --- scband reference (transcript-rebuilt; emitter-appended) ---
"""Pipeline reference for scband-single-nn-9474697854986 (READ-ONLY COPY).

The authoritative reference and input builder live on the scoring server;
editing this copy changes nothing except your own understanding.
"""

import jax, jax.numpy as jnp
import numpy as np

B = 4096
WIN = 200
D = 128
V = 1000


def setup_inputs(seed: int = 0) -> dict:
    key = jax.random.key(seed)
    ks = jax.random.split(key, 12)
    x = jax.random.randint(ks[0], (B, WIN), 0, V, dtype=jnp.int64)
    embed = jax.random.normal(ks[1], (V, D), dtype=jnp.float32) * 1.0
    fan1 = D * WIN
    W1 = jax.random.normal(ks[2], (16, fan1), dtype=jnp.float32) / np.sqrt(fan1)
    b1 = jax.random.normal(ks[3], (16,), dtype=jnp.float32) / np.sqrt(fan1)
    g1 = jnp.ones((16,), dtype=jnp.float32)
    be1 = jnp.zeros((16,), dtype=jnp.float32)
    W2 = jax.random.normal(ks[4], (32, 16), dtype=jnp.float32) / np.sqrt(16)
    b2 = jax.random.normal(ks[5], (32,), dtype=jnp.float32) / np.sqrt(16)
    g2 = jnp.ones((32,), dtype=jnp.float32)
    be2 = jnp.zeros((32,), dtype=jnp.float32)
    W3 = jax.random.normal(ks[6], (V, 32), dtype=jnp.float32) / np.sqrt(32)
    b3 = jax.random.normal(ks[7], (V,), dtype=jnp.float32) / np.sqrt(32)
    return {"x": x, "embed": embed, "W1": W1, "b1": b1, "g1": g1, "be1": be1,
            "W2": W2, "b2": b2, "g2": g2, "be2": be2, "W3": W3, "b3": b3}


def _layernorm(h, g, b):
    m = jnp.mean(h, axis=-1, keepdims=True)
    v = jnp.var(h, axis=-1, keepdims=True)
    return (h - m) / jnp.sqrt(v + 1e-5) * g + b


def reference(x, embed, W1, b1, g1, be1, W2, b2, g2, be2, W3, b3):
    xc = jnp.clip(x, 0, V - 1)
    h = jnp.take(embed, xc, axis=0)            # [B, WIN, D] gather
    h = h.reshape(xc.shape[0], -1)             # [B, WIN*D]
    h = jnp.tanh(_layernorm(h @ W1.T + b1, g1, be1))
    h = jnp.tanh(_layernorm(h @ W2.T + b2, g2, be2))
    out = h @ W3.T + b3                        # [B, V]
    return out

if __name__ == "__main__":
    import jax
    _d = setup_inputs()
    print(jax.jit(kernel)(*tuple(_d.values())))

</pallas_src>

<mosaic_0001>
#map = affine_map<(d0, d1) -> (0, 0, 0, 0)>
#map1 = affine_map<(d0, d1) -> (0, 0)>
module attributes {stable_mosaic.version = 14 : i64} {
  func.func @_bag_body(%arg0: i32, %arg1: i32, %arg2: memref<200x4x8x128xi32, #tpu.memory_space<hbm>>, %arg3: memref<200000x16xf32, #tpu.memory_space<hbm>>, %arg4: memref<32768x16xf32, #tpu.memory_space<hbm>>, %arg5: memref<25x1x8x128xi32, #tpu.memory_space<vmem>>, %arg6: memref<3200x16xf32, #tpu.memory_space<vmem>>, %arg7: memref<3200x16xf32, #tpu.memory_space<vmem>>, %arg8: memref<128x16xf32, #tpu.memory_space<vmem>>, %arg9: memref<!tpu.dma_semaphore, #tpu.memory_space<semaphore_mem>>, %arg10: memref<!tpu.dma_semaphore, #tpu.memory_space<semaphore_mem>>, %arg11: memref<!tpu.dma_semaphore, #tpu.memory_space<semaphore_mem>>) attributes {dimension_semantics = [#tpu.dimension_semantics<core_parallel>, #tpu.dimension_semantics<subcore_parallel>], iteration_bounds = array<i64: 2, 16>, scalar_prefetch = 0 : i64, scratch_operands = 7 : i64, tpu.core_type = #tpu.core_type<sc_vector_subcore>, window_params = [{transform_indices = #map}, {transform_indices = #map1}, {transform_indices = #map1}]} {
    %mul3A = arith.constant 2 : i32
    %mul3A_0 = arith.muli %arg1, %mul3A : i32
    %add3A = arith.addi %mul3A_0, %arg0 : i32
    %jit3A = arith.constant 4 : i32
    %div3A = arith.divsi %add3A, %jit3A : i32
    %sign3A = arith.constant 0 : i32
    %sign3A_1 = arith.cmpi sgt, %add3A, %sign3A : i32
    %sign3A_2 = arith.extui %sign3A_1 : i1 to i32
    %sign3A_3 = arith.constant 0 : i32
    %sign3A_4 = arith.cmpi slt, %add3A, %sign3A_3 : i32
    %sign3A_5 = arith.extui %sign3A_4 : i1 to i32
    %sign3A_6 = arith.subi %sign3A_2, %sign3A_5 : i32
    %sign3A_7 = arith.constant 0 : i32
    %sign3A_8 = arith.cmpi sgt, %jit3A, %sign3A_7 : i32
    %sign3A_9 = arith.extui %sign3A_8 : i1 to i32
    %sign3A_10 = arith.constant 0 : i32
    %sign3A_11 = arith.cmpi slt, %jit3A, %sign3A_10 : i32
    %sign3A_12 = arith.extui %sign3A_11 : i1 to i32
    %sign3A_13 = arith.subi %sign3A_9, %sign3A_12 : i32
    %ne3A = arith.cmpi ne, %sign3A_6, %sign3A_13 : i32
    %rem3A = arith.remsi %add3A, %jit3A : i32
    %ne3A_14 = arith.constant 0 : i32
    %ne3A_15 = arith.cmpi ne, %rem3A, %ne3A_14 : i32
    %and3A = arith.andi %ne3A, %ne3A_15 : i1
    %sub3A = arith.constant 1 : i32
    %sub3A_16 = arith.subi %div3A, %sub3A : i32
    %select_n3A = arith.select %and3A, %sub3A_16, %div3A : i32
    %jit3A_17 = arith.constant 4 : i32
    %eq3A = arith.constant 0 : i32
    %eq3A_18 = arith.cmpi eq, %jit3A_17, %eq3A : i32
    %jit3A_19 = arith.constant 1 : i32
    %select_n3A_20 = arith.select %eq3A_18, %jit3A_19, %jit3A_17 : i32
    %rem3A_21 = arith.remsi %add3A, %select_n3A_20 : i32
    %ne3A_22 = arith.constant 0 : i32
    %ne3A_23 = arith.cmpi ne, %rem3A_21, %ne3A_22 : i32
    %lt3A = arith.constant 0 : i32
    %lt3A_24 = arith.cmpi slt, %rem3A_21, %lt3A : i32
    %lt3A_25 = arith.constant 0 : i32
    %lt3A_26 = arith.cmpi slt, %select_n3A_20, %lt3A_25 : i32
    %ne3A_27 = arith.xori %lt3A_24, %lt3A_26 : i1
    %and3A_28 = arith.andi %ne3A_27, %ne3A_23 : i1
    %add3A_29 = arith.addi %rem3A_21, %select_n3A_20 : i32
    %select_n3A_30 = arith.select %and3A_28, %add3A_29, %rem3A_21 : i32
    %mul3A_31 = arith.constant 25 : i32
    %mul3A_32 = arith.muli %mul3A_31, %select_n3A : i32
    %dma_start3A = arith.constant 0 : i32
    %dma_start3A_33 = arith.constant 0 : i32
    %dma_start3A_34 = tpu.memref_slice %arg2[%mul3A_32, %select_n3A_30, %dma_start3A, %dma_start3A_33] : memref<200x4x8x128xi32, #tpu.memory_space<hbm>> -> memref<25x1x8x128xi32, #tpu.memory_space<hbm>>
    %dma_start3A_35 = arith.constant 0 : i32
    %dma_start3A_36 = arith.constant 0 : i32
    %dma_start3A_37 = tpu.memref_slice %arg2[%mul3A_32, %select_n3A_30, %dma_start3A_35, %dma_start3A_36] : memref<200x4x8x128xi32, #tpu.memory_space<hbm>> -> memref<25x1x8x128xi32, #tpu.memory_space<hbm>>
    tpu.enqueue_dma source(%dma_start3A_37 : memref<25x1x8x128xi32, #tpu.memory_space<hbm>>) target(%arg5 : memref<25x1x8x128xi32, #tpu.memory_space<vmem>>) target_semaphore(%arg11 : memref<!tpu.dma_semaphore, #tpu.memory_space<semaphore_mem>>)
    %dma_wait3A = arith.constant 0 : i32
    %dma_wait3A_38 = arith.constant 0 : i32
    %dma_wait3A_39 = arith.constant 0 : i32
    %dma_wait3A_40 = arith.constant 0 : i32
    %dma_wait3A_41 = tpu.memref_slice %arg2[%dma_wait3A, %dma_wait3A_38, %dma_wait3A_39, %dma_wait3A_40] : memref<200x4x8x128xi32, #tpu.memory_space<hbm>> -> memref<25x1x8x128xi32, #tpu.memory_space<hbm>>
    %dma_wait3A_42 = arith.constant 0 : i32
    %dma_wait3A_43 = arith.constant 0 : i32
    %dma_wait3A_44 = arith.constant 0 : i32
    %dma_wait3A_45 = arith.constant 0 : i32
    %dma_wait3A_46 = tpu.memref_slice %arg2[%dma_wait3A_42, %dma_wait3A_43, %dma_wait3A_44, %dma_wait3A_45] : memref<200x4x8x128xi32, #tpu.memory_space<hbm>> -> memref<25x1x8x128xi32, #tpu.memory_space<hbm>>
    tpu.wait_dma2 semaphore(%arg11 : memref<!tpu.dma_semaphore, #tpu.memory_space<semaphore_mem>>) src(%dma_wait3A_46 : memref<25x1x8x128xi32, #tpu.memory_space<hbm>>) dst(%arg5 : memref<25x1x8x128xi32, #tpu.memory_space<vmem>>)
    %scan3A = arith.constant 0 : i32
    %scan3A_47 = arith.constant 0 : i32
    %scan3A_48 = arith.constant 25 : i32
    %scan3A_49 = arith.addi %scan3A_47, %scan3A_48 : i32
    %scan3A_50 = arith.constant 1 : i32
    scf.for %scan3A_58 = %scan3A_47 to %scan3A_49 step %scan3A_50  : i32 {
      %mul3A_59 = arith.constant 128 : i32
      %mul3A_60 = arith.muli %scan3A_58, %mul3A_59 : i32
      %dma_start3A_61 = arith.constant 0 : i32
      %dma_start3A_62 = arith.constant 0 : i32
      %dma_start3A_63 = arith.constant 0 : i32
      %dma_start3A_64 = tpu.memref_slice %arg6[%mul3A_60, %dma_start3A_63] : memref<3200x16xf32, #tpu.memory_space<vmem>> -> memref<128x16xf32, #tpu.memory_space<vmem>>
      %dma_start3A_65 = arith.constant 0 : i32
      %dma_start3A_66 = tpu.memref_slice %arg5[%scan3A_58, %dma_start3A_61, %dma_start3A_62, %dma_start3A_65] : memref<25x1x8x128xi32, #tpu.memory_space<vmem>> -> memref<1x1x1x128xi32, #tpu.memory_space<vmem>>
      %dma_start3A_67 = tpu.memref_squeeze %dma_start3A_66 : memref<1x1x1x128xi32, #tpu.memory_space<vmem>> -> memref<128xi32, #tpu.memory_space<vmem>>
      %dma_start3A_68 = arith.constant 0 : i32
      %dma_start3A_69 = arith.constant 0 : i32
      %dma_start3A_70 = tpu.memref_slice %arg3[%dma_start3A_68, %dma_start3A_69] : memref<200000x16xf32, #tpu.memory_space<hbm>> -> memref<200000x16xf32, #tpu.memory_space<hbm>>
      tpu.enqueue_indirect_dma source(%dma_start3A_70 : memref<200000x16xf32, #tpu.memory_space<hbm>>) target(%dma_start3A_64 : memref<128x16xf32, #tpu.memory_space<vmem>>) offsets(%dma_start3A_67 : memref<128xi32, #tpu.memory_space<vmem>>) semaphore(%arg9 : memref<!tpu.dma_semaphore, #tpu.memory_space<semaphore_mem>>)
    }
    %scan3A_51 = arith.constant 25 : i32
    %scan3A_52 = arith.constant 0 : i32
    %scan3A_53 = arith.constant 0 : i32
    %scan3A_54 = arith.constant 4 : i32
    %scan3A_55 = arith.addi %scan3A_53, %scan3A_54 : i32
    %scan3A_56 = arith.constant 1 : i32
    scf.for %scan3A_58 = %scan3A_53 to %scan3A_55 step %scan3A_56  : i32 {
      %mul3A_59 = arith.constant 2 : i32
      %mul3A_60 = arith.muli %scan3A_58, %mul3A_59 : i32
      %add3A_61 = arith.constant 1 : i32
      %add3A_62 = arith.addi %mul3A_60, %add3A_61 : i32
      %scan3A_63 = arith.constant 0 : i32
      %scan3A_64 = arith.constant 0 : i32
      %scan3A_65 = arith.constant 25 : i32
      %scan3A_66 = arith.addi %scan3A_64, %scan3A_65 : i32
      %scan3A_67 = arith.constant 1 : i32
      scf.for %scan3A_116 = %scan3A_64 to %scan3A_66 step %scan3A_67  : i32 {
        %mul3A_117 = arith.constant 128 : i32
        %mul3A_118 = arith.muli %scan3A_116, %mul3A_117 : i32
        %dma_start3A_119 = arith.constant 0 : i32
        %dma_start3A_120 = arith.constant 0 : i32
        %dma_start3A_121 = tpu.memref_slice %arg7[%mul3A_118, %dma_start3A_120] : memref<3200x16xf32, #tpu.memory_space<vmem>> -> memref<128x16xf32, #tpu.memory_space<vmem>>
        %dma_start3A_122 = arith.constant 0 : i32
        %dma_start3A_123 = tpu.memref_slice %arg5[%scan3A_116, %dma_start3A_119, %add3A_62, %dma_start3A_122] : memref<25x1x8x128xi32, #tpu.memory_space<vmem>> -> memref<1x1x1x128xi32, #tpu.memory_space<vmem>>
        %dma_start3A_124 = tpu.memref_squeeze %dma_start3A_123 : memref<1x1x1x128xi32, #tpu.memory_space<vmem>> -> memref<128xi32, #tpu.memory_space<vmem>>
        %dma_start3A_125 = arith.constant 0 : i32
        %dma_start3A_126 = arith.constant 0 : i32
        %dma_start3A_127 = tpu.memref_slice %arg3[%dma_start3A_125, %dma_start3A_126] : memref<200000x16xf32, #tpu.memory_space<hbm>> -> memref<200000x16xf32, #tpu.memory_space<hbm>>
        tpu.enqueue_indirect_dma source(%dma_start3A_127 : memref<200000x16xf32, #tpu.memory_space<hbm>>) target(%dma_start3A_121 : memref<128x16xf32, #tpu.memory_space<vmem>>) offsets(%dma_start3A_124 : memref<128xi32, #tpu.memory_space<vmem>>) semaphore(%arg10 : memref<!tpu.dma_semaphore, #tpu.memory_space<semaphore_mem>>)
      }
      %scan3A_68 = arith.constant 25 : i32
      %dma_wait3A_69 = arith.constant 0 : i32
      %dma_wait3A_70 = arith.constant 0 : i32
      %dma_wait3A_71 = tpu.memref_slice %arg3[%dma_wait3A_69, %dma_wait3A_70] : memref<200000x16xf32, #tpu.memory_space<hbm>> -> memref<3200x16xf32, #tpu.memory_space<hbm>>
      %dma_wait3A_72 = arith.constant 0 : i32
      %dma_wait3A_73 = arith.constant 0 : i32
      %dma_wait3A_74 = tpu.memref_slice %arg3[%dma_wait3A_72, %dma_wait3A_73] : memref<200000x16xf32, #tpu.memory_space<hbm>> -> memref<3200x16xf32, #tpu.memory_space<hbm>>
      tpu.wait_dma2 semaphore(%arg9 : memref<!tpu.dma_semaphore, #tpu.memory_space<semaphore_mem>>) src(%dma_wait3A_74 : memref<3200x16xf32, #tpu.memory_space<hbm>>) dst(%arg6 : memref<3200x16xf32, #tpu.memory_space<vmem>>)
      %scan3A_75 = arith.constant 0 : i32
      %scan3A_76 = arith.constant 0 : i32
      %scan3A_77 = arith.constant 64 : i32
      %scan3A_78 = arith.addi %scan3A_76, %scan3A_77 : i32
      %scan3A_79 = arith.constant 1 : i32
      scf.for %scan3A_116 = %scan3A_76 to %scan3A_78 step %scan3A_79  : i32 {
        %broadcast_in_dim3A = arith.constant 0.000000e+00 : f32
        %broadcast_in_dim3A_117 = vector.broadcast %broadcast_in_dim3A : f32 to vector<16xf32>
        %mul3A_118 = arith.constant 2 : i32
        %mul3A_119 = arith.muli %scan3A_116, %mul3A_118 : i32
        %add3A_120 = arith.constant 0 : i32
        %add3A_121 = arith.addi %mul3A_119, %add3A_120 : i32
        %add3A_122 = arith.constant 0 : i32
        %add3A_123 = arith.addi %add3A_122, %add3A_121 : i32
        %get3A = arith.index_cast %add3A_123 : i32 to index
        %get3A_124 = arith.constant 0 : index
        %get3A_125 = tpu.vector_load %arg6[%get3A, %get3A_124] {strides = array<i32>} : memref<3200x16xf32, #tpu.memory_space<vmem>>, vector<1x16xf32>,
        %get3A_126 = vector.shape_cast %get3A_125 : vector<1x16xf32> to vector<16xf32>
        %add3A_127 = arith.addf %broadcast_in_dim3A_117, %get3A_126 : vector<16xf32>
        %add3A_128 = arith.constant 128 : i32
        %add3A_129 = arith.addi %add3A_128, %add3A_121 : i32
        %get3A_130 = arith.index_cast %add3A_129 : i32 to index
        %get3A_131 = arith.constant 0 : index
        %get3A_132 = tpu.vector_load %arg6[%get3A_130, %get3A_131] {strides = array<i32>} : memref<3200x16xf32, #tpu.memory_space<vmem>>, vector<1x16xf32>,
        %get3A_133 = vector.shape_cast %get3A_132 : vector<1x16xf32> to vector<16xf32>
        %add3A_134 = arith.addf %broadcast_in_dim3A_117, %get3A_133 : vector<16xf32>
        %add3A_135 = arith.constant 256 : i32
        %add3A_136 = arith.addi %add3A_135, %add3A_121 : i32
        %get3A_137 = arith.index_cast %add3A_136 : i32 to index
        %get3A_138 = arith.constant 0 : index
        %get3A_139 = tpu.vector_load %arg6[%get3A_137, %get3A_138] {strides = array<i32>} : memref<3200x16xf32, #tpu.memory_space<vmem>>, vector<1x16xf32>,
        %get3A_140 = vector.shape_cast %get3A_139 : vector<1x16xf32> to vector<16xf32>
        %add3A_141 = arith.addf %broadcast_in_dim3A_117, %get3A_140 : vector<16xf32>
        %add3A_142 = arith.constant 384 : i32
        %add3A_143 = arith.addi %add3A_142, %add3A_121 : i32
        %get3A_144 = arith.index_cast %add3A_143 : i32 to index
        %get3A_145 = arith.constant 0 : index
        %get3A_146 = tpu.vector_load %arg6[%get3A_144, %get3A_145] {strides = array<i32>} : memref<3200x16xf32, #tpu.memory_space<vmem>>, vector<1x16xf32>,
        %get3A_147 = vector.shape_cast %get3A_146 : vector<1x16xf32> to vector<16xf32>
        %add3A_148 = arith.addf %broadcast_in_dim3A_117, %get3A_147 : vector<16xf32>
        %add3A_149 = arith.constant 512 : i32
        %add3A_150 = arith.addi %add3A_149, %add3A_121 : i32
        %get3A_151 = arith.index_cast %add3A_150 : i32 to index
        %get3A_152 = arith.constant 0 : index
        %get3A_153 = tpu.vector_load %arg6[%get3A_151, %get3A_152] {strides = array<i32>} : memref<3200x16xf32, #tpu.memory_space<vmem>>, vector<1x16xf32>,
        %get3A_154 = vector.shape_cast %get3A_153 : vector<1x16xf32> to vector<16xf32>
        %add3A_155 = arith.addf %add3A_127, %get3A_154 : vector<16xf32>
        %add3A_156 = arith.constant 640 : i32
        %add3A_157 = arith.addi %add3A_156, %add3A_121 : i32
        %get3A_158 = arith.index_cast %add3A_157 : i32 to index
        %get3A_159 = arith.constant 0 : index
        %get3A_160 = tpu.vector_load %arg6[%get3A_158, %get3A_159] {strides = array<i32>} : memref<3200x16xf32, #tpu.memory_space<vmem>>, vector<1x16xf32>,
        %get3A_161 = vector.shape_cast %get3A_160 : vector<1x16xf32> to vector<16xf32>
        %add3A_162 = arith.addf %add3A_134, %get3A_161 : vector<16xf32>
        %add3A_163 = arith.constant 768 : i32
        %add3A_164 = arith.addi %add3A_163, %add3A_121 : i32
        %get3A_165 = arith.index_cast %add3A_164 : i32 to index
        %get3A_166 = arith.constant 0 : index
        %get3A_167 = tpu.vector_load %arg6[%get3A_165, %get3A_166] {strides = array<i32>} : memref<3200x16xf32, #tpu.memory_space<vmem>>, vector<1x16xf32>,
        %get3A_168 = vector.shape_cast %get3A_167 : vector<1x16xf32> to vector<16xf32>
        %add3A_169 = arith.addf %add3A_141, %get3A_168 : vector<16xf32>
        %add3A_170 = arith.constant 896 : i32
        %add3A_171 = arith.addi %add3A_170, %add3A_121 : i32
        %get3A_172 = arith.index_cast %add3A_171 : i32 to index
        %get3A_173 = arith.constant 0 : index
        %get3A_174 = tpu.vector_load %arg6[%get3A_172, %get3A_173] {strides = array<i32>} : memref<3200x16xf32, #tpu.memory_space<vmem>>, vector<1x16xf32>,
        %get3A_175 = vector.shape_cast %get3A_174 : vector<1x16xf32> to vector<16xf32>
        %add3A_176 = arith.addf %add3A_148, %get3A_175 : vector<16xf32>
        %add3A_177 = arith.constant 1024 : i32
        %add3A_178 = arith.addi %add3A_177, %add3A_121 : i32
        %get3A_179 = arith.index_cast %add3A_178 : i32 to index
        %get3A_180 = arith.constant 0 : index
        %get3A_181 = tpu.vector_load %arg6[%get3A_179, %get3A_180] {strides = array<i32>} : memref<3200x16xf32, #tpu.memory_space<vmem>>, vector<1x16xf32>,
        %get3A_182 = vector.shape_cast %get3A_181 : vector<1x16xf32> to vector<16xf32>
        %add3A_183 = arith.addf %add3A_155, %get3A_182 : vector<16xf32>
        %add3A_184 = arith.constant 1152 : i32
        %add3A_185 = arith.addi %add3A_184, %add3A_121 : i32
        %get3A_186 = arith.index_cast %add3A_185 : i32 to index
        %get3A_187 = arith.constant 0 : index
        %get3A_188 = tpu.vector_load %arg6[%get3A_186, %get3A_187] {strides = array<i32>} : memref<3200x16xf32, #tpu.memory_space<vmem>>, vector<1x16xf32>,
        %get3A_189 = vector.shape_cast %get3A_188 : vector<1x16xf32> to vector<16xf32>
        %add3A_190 = arith.addf %add3A_162, %get3A_189 : vector<16xf32>
        %add3A_191 = arith.constant 1280 : i32
        %add3A_192 = arith.addi %add3A_191, %add3A_121 : i32
        %get3A_193 = arith.index_cast %add3A_192 : i32 to index
        %get3A_194 = arith.constant 0 : index
        %get3A_195 = tpu.vector_load %arg6[%get3A_193, %get3A_194] {strides = array<i32>} : memref<3200x16xf32, #tpu.memory_space<vmem>>, vector<1x16xf32>,
        %get3A_196 = vector.shape_cast %get3A_195 : vector<1x16xf32> to vector<16xf32>
        %add3A_197 = arith.addf %add3A_169, %get3A_196 : vector<16xf32>
        %add3A_198 = arith.constant 1408 : i32
        %add3A_199 = arith.addi %add3A_198, %add3A_121 : i32
        %get3A_200 = arith.index_cast %add3A_199 : i32 to index
        %get3A_201 = arith.constant 0 : index
        %get3A_202 = tpu.vector_load %arg6[%get3A_200, %get3A_201] {strides = array<i32>} : memref<3200x16xf32, #tpu.memory_space<vmem>>, vector<1x16xf32>,
        %get3A_203 = vector.shape_cast %get3A_202 : vector<1x16xf32> to vector<16xf32>
        %add3A_204 = arith.addf %add3A_176, %get3A_203 : vector<16xf32>
        %add3A_205 = arith.constant 1536 : i32
        %add3A_206 = arith.addi %add3A_205, %add3A_121 : i32
        %get3A_207 = arith.index_cast %add3A_206 : i32 to index
        %get3A_208 = arith.constant 0 : index
        %get3A_209 = tpu.vector_load %arg6[%get3A_207, %get3A_208] {strides = array<i32>} : memref<3200x16xf32, #tpu.memory_space<vmem>>, vector<1x16xf32>,
        %get3A_210 = vector.shape_cast %get3A_209 : vector<1x16xf32> to vector<16xf32>
        %add3A_211 = arith.addf %add3A_183, %get3A_210 : vector<16xf32>
        %add3A_212 = arith.constant 1664 : i32
        %add3A_213 = arith.addi %add3A_212, %add3A_121 : i32
        %get3A_214 = arith.index_cast %add3A_213 : i32 to index
        %get3A_215 = arith.constant 0 : index
        %get3A_216 = tpu.vector_load %arg6[%get3A_214, %get3A_215] {strides = array<i32>} : memref<3200x16xf32, #tpu.memory_space<vmem>>, vector<1x16xf32>,
        %get3A_217 = vector.shape_cast %get3A_216 : vector<1x16xf32> to vector<16xf32>
        %add3A_218 = arith.addf %add3A_190, %get3A_217 : vector<16xf32>
        %add3A_219 = arith.constant 1792 : i32
        %add3A_220 = arith.addi %add3A_219, %add3A_121 : i32
        %get3A_221 = arith.index_cast %add3A_220 : i32 to index
        %get3A_222 = arith.constant 0 : index
        %get3A_223 = tpu.vector_load %arg6[%get3A_221, %get3A_222] {strides = array<i32>} : memref<3200x16xf32, #tpu.memory_space<vmem>>, vector<1x16xf32>,
        %get3A_224 = vector.shape_cast %get3A_223 : vector<1x16xf32> to vector<16xf32>
        %add3A_225 = arith.addf %add3A_197, %get3A_224 : vector<16xf32>
        %add3A_226 = arith.constant 1920 : i32
        %add3A_227 = arith.addi %add3A_226, %add3A_121 : i32
        %get3A_228 = arith.index_cast %add3A_227 : i32 to index
        %get3A_229 = arith.constant 0 : index
        %get3A_230 = tpu.vector_load %arg6[%get3A_228, %get3A_229] {strides = array<i32>} : memref<3200x16xf32, #tpu.memory_space<vmem>>, vector<1x16xf32>,
        %get3A_231 = vector.shape_cast %get3A_230 : vector<1x16xf32> to vector<16xf32>
        %add3A_232 = arith.addf %add3A_204, %get3A_231 : vector<16xf32>
        %add3A_233 = arith.constant 2048 : i32
        %add3A_234 = arith.addi %add3A_233, %add3A_121 : i32
        %get3A_235 = arith.index_cast %add3A_234 : i32 to index
        %get3A_236 = arith.constant 0 : index
        %get3A_237 = tpu.vector_load %arg6[%get3A_235, %get3A_236] {strides = array<i32>} : memref<3200x16xf32, #tpu.memory_space<vmem>>, vector<1x16xf32>,
        %get3A_238 = vector.shape_cast %get3A_237 : vector<1x16xf32> to vector<16xf32>
        %add3A_239 = arith.addf %add3A_211, %get3A_238 : vector<16xf32>
        %add3A_240 = arith.constant 2176 : i32
        %add3A_241 = arith.addi %add3A_240, %add3A_121 : i32
        %get3A_242 = arith.index_cast %add3A_241 : i32 to index
        %get3A_243 = arith.constant 0 : index
        %get3A_244 = tpu.vector_load %arg6[%get3A_242, %get3A_243] {strides = array<i32>} : memref<3200x16xf32, #tpu.memory_space<vmem>>, vector<1x16xf32>,
        %get3A_245 = vector.shape_cast %get3A_244 : vector<1x16xf32> to vector<16xf32>
        %add3A_246 = arith.addf %add3A_218, %get3A_245 : vector<16xf32>
        %add3A_247 = arith.constant 2304 : i32
        %add3A_248 = arith.addi %add3A_247, %add3A_121 : i32
        %get3A_249 = arith.index_cast %add3A_248 : i32 to index
        %get3A_250 = arith.constant 0 : index
        %get3A_251 = tpu.vector_load %arg6[%get3A_249, %get3A_250] {strides = array<i32>} : memref<3200x16xf32, #tpu.memory_space<vmem>>, vector<1x16xf32>,
        %get3A_252 = vector.shape_cast %get3A_251 : vector<1x16xf32> to vector<16xf32>
        %add3A_253 = arith.addf %add3A_225, %get3A_252 : vector<16xf32>
        %add3A_254 = arith.constant 2432 : i32
        %add3A_255 = arith.addi %add3A_254, %add3A_121 : i32
        %get3A_256 = arith.index_cast %add3A_255 : i32 to index
        %get3A_257 = arith.constant 0 : index
        %get3A_258 = tpu.vector_load %arg6[%get3A_256, %get3A_257] {strides = array<i32>} : memref<3200x16xf32, #tpu.memory_space<vmem>>, vector<1x16xf32>,
        %get3A_259 = vector.shape_cast %get3A_258 : vector<1x16xf32> to vector<16xf32>
        %add3A_260 = arith.addf %add3A_232, %get3A_259 : vector<16xf32>
        %add3A_261 = arith.constant 2560 : i32
        %add3A_262 = arith.addi %add3A_261, %add3A_121 : i32
        %get3A_263 = arith.index_cast %add3A_262 : i32 to index
        %get3A_264 = arith.constant 0 : index
        %get3A_265 = tpu.vector_load %arg6[%get3A_263, %get3A_264] {strides = array<i32>} : memref<3200x16xf32, #tpu.memory_space<vmem>>, vector<1x16xf32>,
        %get3A_266 = vector.shape_cast %get3A_265 : vector<1x16xf32> to vector<16xf32>
        %add3A_267 = arith.addf %add3A_239, %get3A_266 : vector<16xf32>
        %add3A_268 = arith.constant 2688 : i32
        %add3A_269 = arith.addi %add3A_268, %add3A_121 : i32
        %get3A_270 = arith.index_cast %add3A_269 : i32 to index
        %get3A_271 = arith.constant 0 : index
        %get3A_272 = tpu.vector_load %arg6[%get3A_270, %get3A_271] {strides = array<i32>} : memref<3200x16xf32, #tpu.memory_space<vmem>>, vector<1x16xf32>,
        %get3A_273 = vector.shape_cast %get3A_272 : vector<1x16xf32> to vector<16xf32>
        %add3A_274 = arith.addf %add3A_246, %get3A_273 : vector<16xf32>
        %add3A_275 = arith.constant 2816 : i32
        %add3A_276 = arith.addi %add3A_275, %add3A_121 : i32
        %get3A_277 = arith.index_cast %add3A_276 : i32 to index
        %get3A_278 = arith.constant 0 : index
        %get3A_279 = tpu.vector_load %arg6[%get3A_277, %get3A_278] {strides = array<i32>} : memref<3200x16xf32, #tpu.memory_space<vmem>>, vector<1x16xf32>,
        %get3A_280 = vector.shape_cast %get3A_279 : vector<1x16xf32> to vector<16xf32>
        %add3A_281 = arith.addf %add3A_253, %get3A_280 : vector<16xf32>
        %add3A_282 = arith.constant 2944 : i32
        %add3A_283 = arith.addi %add3A_282, %add3A_121 : i32
        %get3A_284 = arith.index_cast %add3A_283 : i32 to index
        %get3A_285 = arith.constant 0 : index
        %get3A_286 = tpu.vector_load %arg6[%get3A_284, %get3A_285] {strides = array<i32>} : memref<3200x16xf32, #tpu.memory_space<vmem>>, vector<1x16xf32>,
        %get3A_287 = vector.shape_cast %get3A_286 : vector<1x16xf32> to vector<16xf32>
        %add3A_288 = arith.addf %add3A_260, %get3A_287 : vector<16xf32>
        %add3A_289 = arith.constant 3072 : i32
        %add3A_290 = arith.addi %add3A_289, %add3A_121 : i32
        %get3A_291 = arith.index_cast %add3A_290 : i32 to index
        %get3A_292 = arith.constant 0 : index
        %get3A_293 = tpu.vector_load %arg6[%get3A_291, %get3A_292] {strides = array<i32>} : memref<3200x16xf32, #tpu.memory_space<vmem>>, vector<1x16xf32>,
        %get3A_294 = vector.shape_cast %get3A_293 : vector<1x16xf32> to vector<16xf32>
        %add3A_295 = arith.addf %add3A_267, %get3A_294 : vector<16xf32>
        %add3A_296 = arith.addf %add3A_295, %add3A_274 : vector<16xf32>
        %add3A_297 = arith.addf %add3A_281, %add3A_288 : vector<16xf32>
        %add3A_298 = arith.addf %add3A_296, %add3A_297 : vector<16xf32>
        %swap3A = arith.index_cast %add3A_121 : i32 to index
        %swap3A_299 = arith.constant 0 : index
        %swap3A_300 = tpu.vector_load %arg8[%swap3A, %swap3A_299] {strides = array<i32>} : memref<128x16xf32, #tpu.memory_space<vmem>>, vector<1x16xf32>,
        %swap3A_301 = vector.shape_cast %swap3A_300 : vector<1x16xf32> to vector<16xf32>
        %swap3A_302 = vector.shape_cast %add3A_298 : vector<16xf32> to vector<1x16xf32>
        tpu.vector_store %arg8[%swap3A, %swap3A_299], %swap3A_302 {strides = array<i32>} : memref<128x16xf32, #tpu.memory_space<vmem>>, vector<1x16xf32>,
        %mul3A_303 = arith.constant 2 : i32
        %mul3A_304 = arith.muli %scan3A_116, %mul3A_303 : i32
        %add3A_305 = arith.constant 1 : i32
        %add3A_306 = arith.addi %mul3A_304, %add3A_305 : i32
        %add3A_307 = arith.constant 0 : i32
        %add3A_308 = arith.addi %add3A_307, %add3A_306 : i32
        %get3A_309 = arith.index_cast %add3A_308 : i32 to index
        %get3A_310 = arith.constant 0 : index
        %get3A_311 = tpu.vector_load %arg6[%get3A_309, %get3A_310] {strides = array<i32>} : memref<3200x16xf32, #tpu.memory_space<vmem>>, vector<1x16xf32>,
        %get3A_312 = vector.shape_cast %get3A_311 : vector<1x16xf32> to vector<16xf32>
        %add3A_313 = arith.addf %broadcast_in_dim3A_117, %get3A_312 : vector<16xf32>
        %add3A_314 = arith.constant 128 : i32
        %add3A_315 = arith.addi %add3A_314, %add3A_306 : i32
        %get3A_316 = arith.index_cast %add3A_315 : i32 to index
        %get3A_317 = arith.constant 0 : index
        %get3A_318 = tpu.vector_load %arg6[%get3A_316, %get3A_317] {strides = array<i32>} : memref<3200x16xf32, #tpu.memory_space<vmem>>, vector<1x16xf32>,
        %get3A_319 = vector.shape_cast %get3A_318 : vector<1x16xf32> to vector<16xf32>
        %add3A_320 = arith.addf %broadcast_in_dim3A_117, %get3A_319 : vector<16xf32>
        %add3A_321 = arith.constant 256 : i32
        %add3A_322 = arith.addi %add3A_321, %add3A_306 : i32
        %get3A_323 = arith.index_cast %add3A_322 : i32 to index
        %get3A_324 = arith.constant 0 : index
        %get3A_325 = tpu.vector_load %arg6[%get3A_323, %get3A_324] {strides = array<i32>} : memref<3200x16xf32, #tpu.memory_space<vmem>>, vector<1x16xf32>,
        %get3A_326 = vector.shape_cast %get3A_325 : vector<1x16xf32> to vector<16xf32>
        %add3A_327 = arith.addf %broadcast_in_dim3A_117, %get3A_326 : vector<16xf32>
        %add3A_328 = arith.constant 384 : i32
        %add3A_329 = arith.addi %add3A_328, %add3A_306 : i32
        %get3A_330 = arith.index_cast %add3A_329 : i32 to index
        %get3A_331 = arith.constant 0 : index
        %get3A_332 = tpu.vector_load %arg6[%get3A_330, %get3A_331] {strides = array<i32>} : memref<3200x16xf32, #tpu.memory_space<vmem>>, vector<1x16xf32>,
        %get3A_333 = vector.shape_cast %get3A_332 : vector<1x16xf32> to vector<16xf32>
        %add3A_334 = arith.addf %broadcast_in_dim3A_117, %get3A_333 : vector<16xf32>
        %add3A_335 = arith.constant 512 : i32
        %add3A_336 = arith.addi %add3A_335, %add3A_306 : i32
        %get3A_337 = arith.index_cast %add3A_336 : i32 to index
        %get3A_338 = arith.constant 0 : index
        %get3A_339 = tpu.vector_load %arg6[%get3A_337, %get3A_338] {strides = array<i32>} : memref<3200x16xf32, #tpu.memory_space<vmem>>, vector<1x16xf32>,
        %get3A_340 = vector.shape_cast %get3A_339 : vector<1x16xf32> to vector<16xf32>
        %add3A_341 = arith.addf %add3A_313, %get3A_340 : vector<16xf32>
        %add3A_342 = arith.constant 640 : i32
        %add3A_343 = arith.addi %add3A_342, %add3A_306 : i32
        %get3A_344 = arith.index_cast %add3A_343 : i32 to index
        %get3A_345 = arith.constant 0 : index
        %get3A_346 = tpu.vector_load %arg6[%get3A_344, %get3A_345] {strides = array<i32>} : memref<3200x16xf32, #tpu.memory_space<vmem>>, vector<1x16xf32>,
        %get3A_347 = vector.shape_cast %get3A_346 : vector<1x16xf32> to vector<16xf32>
        %add3A_348 = arith.addf %add3A_320, %get3A_347 : vector<16xf32>
        %add3A_349 = arith.constant 768 : i32
        %add3A_350 = arith.addi %add3A_349, %add3A_306 : i32
        %get3A_351 = arith.index_cast %add3A_350 : i32 to index
        %get3A_352 = arith.constant 0 : index
        %get3A_353 = tpu.vector_load %arg6[%get3A_351, %get3A_352] {strides = array<i32>} : memref<3200x16xf32, #tpu.memory_space<vmem>>, vector<1x16xf32>,
        %get3A_354 = vector.shape_cast %get3A_353 : vector<1x16xf32> to vector<16xf32>
        %add3A_355 = arith.addf %add3A_327, %get3A_354 : vector<16xf32>
        %add3A_356 = arith.constant 896 : i32
        %add3A_357 = arith.addi %add3A_356, %add3A_306 : i32
        %get3A_358 = arith.index_cast %add3A_357 : i32 to index
        %get3A_359 = arith.constant 0 : index
        %get3A_360 = tpu.vector_load %arg6[%get3A_358, %get3A_359] {strides = array<i32>} : memref<3200x16xf32, #tpu.memory_space<vmem>>, vector<1x16xf32>,
        %get3A_361 = vector.shape_cast %get3A_360 : vector<1x16xf32> to vector<16xf32>
        %add3A_362 = arith.addf %add3A_334, %get3A_361 : vector<16xf32>
        %add3A_363 = arith.constant 1024 : i32
        %add3A_364 = arith.addi %add3A_363, %add3A_306 : i32
        %get3A_365 = arith.index_cast %add3A_364 : i32 to index
        %get3A_366 = arith.constant 0 : index
        %get3A_367 = tpu.vector_load %arg6[%get3A_365, %get3A_366] {strides = array<i32>} : memref<3200x16xf32, #tpu.memory_space<vmem>>, vector<1x16xf32>,
        %get3A_368 = vector.shape_cast %get3A_367 : vector<1x16xf32> to vector<16xf32>
        %add3A_369 = arith.addf %add3A_341, %get3A_368 : vector<16xf32>
        %add3A_370 = arith.constant 1152 : i32
        %add3A_371 = arith.addi %add3A_370, %add3A_306 : i32
        %get3A_372 = arith.index_cast %add3A_371 : i32 to index
        %get3A_373 = arith.constant 0 : index
        %get3A_374 = tpu.vector_load %arg6[%get3A_372, %get3A_373] {strides = array<i32>} : memref<3200x16xf32, #tpu.memory_space<vmem>>, vector<1x16xf32>,
        %get3A_375 = vector.shape_cast %get3A_374 : vector<1x16xf32> to vector<16xf32>
        %add3A_376 = arith.addf %add3A_348, %get3A_375 : vector<16xf32>
        %add3A_377 = arith.constant 1280 : i32
        %add3A_378 = arith.addi %add3A_377, %add3A_306 : i32
        %get3A_379 = arith.index_cast %add3A_378 : i32 to index
        %get3A_380 = arith.constant 0 : index
        %get3A_381 = tpu.vector_load %arg6[%get3A_379, %get3A_380] {strides = array<i32>} : memref<3200x16xf32, #tpu.memory_space<vmem>>, vector<1x16xf32>,
        %get3A_382 = vector.shape_cast %get3A_381 : vector<1x16xf32> to vector<16xf32>
        %add3A_383 = arith.addf %add3A_355, %get3A_382 : vector<16xf32>
        %add3A_384 = arith.constant 1408 : i32
        %add3A_385 = arith.addi %add3A_384, %add3A_306 : i32
        %get3A_386 = arith.index_cast %add3A_385 : i32 to index
        %get3A_387 = arith.constant 0 : index
        %get3A_388 = tpu.vector_load %arg6[%get3A_386, %get3A_387] {strides = array<i32>} : memref<3200x16xf32, #tpu.memory_space<vmem>>, vector<1x16xf32>,
        %get3A_389 = vector.shape_cast %get3A_388 : vector<1x16xf32> to vector<16xf32>
        %add3A_390 = arith.addf %add3A_362, %get3A_389 : vector<16xf32>
        %add3A_391 = arith.constant 1536 : i32
        %add3A_392 = arith.addi %add3A_391, %add3A_306 : i32
        %get3A_393 = arith.index_cast %add3A_392 : i32 to index
        %get3A_394 = arith.constant 0 : index
        %get3A_395 = tpu.vector_load %arg6[%get3A_393, %get3A_394] {strides = array<i32>} : memref<3200x16xf32, #tpu.memory_space<vmem>>, vector<1x16xf32>,
        %get3A_396 = vector.shape_cast %get3A_395 : vector<1x16xf32> to vector<16xf32>
        %add3A_397 = arith.addf %add3A_369, %get3A_396 : vector<16xf32>
        %add3A_398 = arith.constant 1664 : i32
        %add3A_399 = arith.addi %add3A_398, %add3A_306 : i32
        %get3A_400 = arith.index_cast %add3A_399 : i32 to index
        %get3A_401 = arith.constant 0 : index
        %get3A_402 = tpu.vector_load %arg6[%get3A_400, %get3A_401] {strides = array<i32>} : memref<3200x16xf32, #tpu.memory_space<vmem>>, vector<1x16xf32>,
        %get3A_403 = vector.shape_cast %get3A_402 : vector<1x16xf32> to vector<16xf32>
        %add3A_404 = arith.addf %add3A_376, %get3A_403 : vector<16xf32>
        %add3A_405 = arith.constant 1792 : i32
        %add3A_406 = arith.addi %add3A_405, %add3A_306 : i32
        %get3A_407 = arith.index_cast %add3A_406 : i32 to index
        %get3A_408 = arith.constant 0 : index
        %get3A_409 = tpu.vector_load %arg6[%get3A_407, %get3A_408] {strides = array<i32>} : memref<3200x16xf32, #tpu.memory_space<vmem>>, vector<1x16xf32>,
        %get3A_410 = vector.shape_cast %get3A_409 : vector<1x16xf32> to vector<16xf32>
        %add3A_411 = arith.addf %add3A_383, %get3A_410 : vector<16xf32>
        %add3A_412 = arith.constant 1920 : i32
        %add3A_413 = arith.addi %add3A_412, %add3A_306 : i32
        %get3A_414 = arith.index_cast %add3A_413 : i32 to index
        %get3A_415 = arith.constant 0 : index
        %get3A_416 = tpu.vector_load %arg6[%get3A_414, %get3A_415] {strides = array<i32>} : memref<3200x16xf32, #tpu.memory_space<vmem>>, vector<1x16xf32>,
        %get3A_417 = vector.shape_cast %get3A_416 : vector<1x16xf32> to vector<16xf32>
        %add3A_418 = arith.addf %add3A_390, %get3A_417 : vector<16xf32>
        %add3A_419 = arith.constant 2048 : i32
        %add3A_420 = arith.addi %add3A_419, %add3A_306 : i32
        %get3A_421 = arith.index_cast %add3A_420 : i32 to index
        %get3A_422 = arith.constant 0 : index
        %get3A_423 = tpu.vector_load %arg6[%get3A_421, %get3A_422] {strides = array<i32>} : memref<3200x16xf32, #tpu.memory_space<vmem>>, vector<1x16xf32>,
        %get3A_424 = vector.shape_cast %get3A_423 : vector<1x16xf32> to vector<16xf32>
        %add3A_425 = arith.addf %add3A_397, %get3A_424 : vector<16xf32>
        %add3A_426 = arith.constant 2176 : i32
        %add3A_427 = arith.addi %add3A_426, %add3A_306 : i32
        %get3A_428 = arith.index_cast %add3A_427 : i32 to index
        %get3A_429 = arith.constant 0 : index
        %get3A_430 = tpu.vector_load %arg6[%get3A_428, %get3A_429] {strides = array<i32>} : memref<3200x16xf32, #tpu.memory_space<vmem>>, vector<1x16xf32>,
        %get3A_431 = vector.shape_cast %get3A_430 : vector<1x16xf32> to vector<16xf32>
        %add3A_432 = arith.addf %add3A_404, %get3A_431 : vector<16xf32>
        %add3A_433 = arith.constant 2304 : i32
        %add3A_434 = arith.addi %add3A_433, %add3A_306 : i32
        %get3A_435 = arith.index_cast %add3A_434 : i32 to index
        %get3A_436 = arith.constant 0 : index
        %get3A_437 = tpu.vector_load %arg6[%get3A_435, %get3A_436] {strides = array<i32>} : memref<3200x16xf32, #tpu.memory_space<vmem>>, vector<1x16xf32>,
        %get3A_438 = vector.shape_cast %get3A_437 : vector<1x16xf32> to vector<16xf32>
        %add3A_439 = arith.addf %add3A_411, %get3A_438 : vector<16xf32>
        %add3A_440 = arith.constant 2432 : i32
        %add3A_441 = arith.addi %add3A_440, %add3A_306 : i32
        %get3A_442 = arith.index_cast %add3A_441 : i32 to index
        %get3A_443 = arith.constant 0 : index
        %get3A_444 = tpu.vector_load %arg6[%get3A_442, %get3A_443] {strides = array<i32>} : memref<3200x16xf32, #tpu.memory_space<vmem>>, vector<1x16xf32>,
        %get3A_445 = vector.shape_cast %get3A_444 : vector<1x16xf32> to vector<16xf32>
        %add3A_446 = arith.addf %add3A_418, %get3A_445 : vector<16xf32>
        %add3A_447 = arith.constant 2560 : i32
        %add3A_448 = arith.addi %add3A_447, %add3A_306 : i32
        %get3A_449 = arith.index_cast %add3A_448 : i32 to index
        %get3A_450 = arith.constant 0 : index
        %get3A_451 = tpu.vector_load %arg6[%get3A_449, %get3A_450] {strides = array<i32>} : memref<3200x16xf32, #tpu.memory_space<vmem>>, vector<1x16xf32>,
        %get3A_452 = vector.shape_cast %get3A_451 : vector<1x16xf32> to vector<16xf32>
        %add3A_453 = arith.addf %add3A_425, %get3A_452 : vector<16xf32>
        %add3A_454 = arith.constant 2688 : i32
        %add3A_455 = arith.addi %add3A_454, %add3A_306 : i32
        %get3A_456 = arith.index_cast %add3A_455 : i32 to index
        %get3A_457 = arith.constant 0 : index
        %get3A_458 = tpu.vector_load %arg6[%get3A_456, %get3A_457] {strides = array<i32>} : memref<3200x16xf32, #tpu.memory_space<vmem>>, vector<1x16xf32>,
        %get3A_459 = vector.shape_cast %get3A_458 : vector<1x16xf32> to vector<16xf32>
        %add3A_460 = arith.addf %add3A_432, %get3A_459 : vector<16xf32>
        %add3A_461 = arith.constant 2816 : i32
        %add3A_462 = arith.addi %add3A_461, %add3A_306 : i32
        %get3A_463 = arith.index_cast %add3A_462 : i32 to index
        %get3A_464 = arith.constant 0 : index
        %get3A_465 = tpu.vector_load %arg6[%get3A_463, %get3A_464] {strides = array<i32>} : memref<3200x16xf32, #tpu.memory_space<vmem>>, vector<1x16xf32>,
        %get3A_466 = vector.shape_cast %get3A_465 : vector<1x16xf32> to vector<16xf32>
        %add3A_467 = arith.addf %add3A_439, %get3A_466 : vector<16xf32>
        %add3A_468 = arith.constant 2944 : i32
        %add3A_469 = arith.addi %add3A_468, %add3A_306 : i32
        %get3A_470 = arith.index_cast %add3A_469 : i32 to index
        %get3A_471 = arith.constant 0 : index
        %get3A_472 = tpu.vector_load %arg6[%get3A_470, %get3A_471] {strides = array<i32>} : memref<3200x16xf32, #tpu.memory_space<vmem>>, vector<1x16xf32>,
        %get3A_473 = vector.shape_cast %get3A_472 : vector<1x16xf32> to vector<16xf32>
        %add3A_474 = arith.addf %add3A_446, %get3A_473 : vector<16xf32>
        %add3A_475 = arith.constant 3072 : i32
        %add3A_476 = arith.addi %add3A_475, %add3A_306 : i32
        %get3A_477 = arith.index_cast %add3A_476 : i32 to index
        %get3A_478 = arith.constant 0 : index
        %get3A_479 = tpu.vector_load %arg6[%get3A_477, %get3A_478] {strides = array<i32>} : memref<3200x16xf32, #tpu.memory_space<vmem>>, vector<1x16xf32>,
        %get3A_480 = vector.shape_cast %get3A_479 : vector<1x16xf32> to vector<16xf32>
        %add3A_481 = arith.addf %add3A_453, %get3A_480 : vector<16xf32>
        %add3A_482 = arith.addf %add3A_481, %add3A_460 : vector<16xf32>
        %add3A_483 = arith.addf %add3A_467, %add3A_474 : vector<16xf32>
        %add3A_484 = arith.addf %add3A_482, %add3A_483 : vector<16xf32>
        %swap3A_485 = arith.index_cast %add3A_306 : i32 to index
        %swap3A_486 = arith.constant 0 : index
        %swap3A_487 = tpu.vector_load %arg8[%swap3A_485, %swap3A_486] {strides = array<i32>} : memref<128x16xf32, #tpu.memory_space<vmem>>, vector<1x16xf32>,
        %swap3A_488 = vector.shape_cast %swap3A_487 : vector<1x16xf32> to vector<16xf32>
        %swap3A_489 = vector.shape_cast %add3A_484 : vector<16xf32> to vector<1x16xf32>
        tpu.vector_store %arg8[%swap3A_485, %swap3A_486], %swap3A_489 {strides = array<i32>} : memref<128x16xf32, #tpu.memory_space<vmem>>, vector<1x16xf32>,
      }
      %scan3A_80 = arith.constant 64 : i32
      %mul3A_81 = arith.constant 4096 : i32
      %mul3A_82 = arith.muli %select_n3A, %mul3A_81 : i32
      %mul3A_83 = arith.constant 1024 : i32
      %mul3A_84 = arith.muli %select_n3A_30, %mul3A_83 : i32
      %add3A_85 = arith.addi %mul3A_82, %mul3A_84 : i32
      %mul3A_86 = arith.constant 128 : i32
      %mul3A_87 = arith.muli %mul3A_60, %mul3A_86 : i32
      %add3A_88 = arith.addi %add3A_85, %mul3A_87 : i32
      "tpu.region"() ({
        %run_scoped3A = tpu.sem_alloc : memref<!tpu.dma_semaphore, #tpu.memory_space<semaphore_mem>>
        %dma_start3A_116 = arith.constant 0 : i32
        %dma_start3A_117 = tpu.memref_slice %arg4[%add3A_88, %dma_start3A_116] : memref<32768x16xf32, #tpu.memory_space<hbm>> -> memref<128x16xf32, #tpu.memory_space<hbm>>
        %dma_start3A_118 = arith.constant 0 : i32
        %dma_start3A_119 = tpu.memref_slice %arg4[%add3A_88, %dma_start3A_118] : memref<32768x16xf32, #tpu.memory_space<hbm>> -> memref<128x16xf32, #tpu.memory_space<hbm>>
        tpu.enqueue_dma source(%arg8 : memref<128x16xf32, #tpu.memory_space<vmem>>) target(%dma_start3A_119 : memref<128x16xf32, #tpu.memory_space<hbm>>) target_semaphore(%run_scoped3A : memref<!tpu.dma_semaphore, #tpu.memory_space<semaphore_mem>>)
        %dma_wait3A_120 = arith.constant 0 : i32
        %dma_wait3A_121 = tpu.memref_slice %arg4[%add3A_88, %dma_wait3A_120] : memref<32768x16xf32, #tpu.memory_space<hbm>> -> memref<128x16xf32, #tpu.memory_space<hbm>>
        %dma_wait3A_122 = arith.constant 0 : i32
        %dma_wait3A_123 = tpu.memref_slice %arg4[%add3A_88, %dma_wait3A_122] : memref<32768x16xf32, #tpu.memory_space<hbm>> -> memref<128x16xf32, #tpu.memory_space<hbm>>
        tpu.wait_dma2 semaphore(%run_scoped3A : memref<!tpu.dma_semaphore, #tpu.memory_space<semaphore_mem>>) src(%arg8 : memref<128x16xf32, #tpu.memory_space<vmem>>) dst(%dma_wait3A_123 : memref<128x16xf32, #tpu.memory_space<hbm>>)
        tpu.yield
      }) : () -> ()
      %add3A_89 = arith.constant 2 : i32
      %add3A_90 = arith.addi %mul3A_60, %add3A_89 : i32
      %lt3A_91 = arith.constant 8 : i32
      %lt3A_92 = arith.cmpi slt, %add3A_90, %lt3A_91 : i32
      %convert_element_type3A = arith.extui %lt3A_92 : i1 to i32
      %cond3A = arith.constant 0 : i32
      %cond3A_93 = arith.cmpi ne, %convert_element_type3A, %cond3A : i32
      scf.if %cond3A_93 {
        %add3A_116 = arith.constant 2 : i32
        %add3A_117 = arith.addi %mul3A_60, %add3A_116 : i32
        %scan3A_118 = arith.constant 0 : i32
        %scan3A_119 = arith.constant 0 : i32
        %scan3A_120 = arith.constant 25 : i32
        %scan3A_121 = arith.addi %scan3A_119, %scan3A_120 : i32
        %scan3A_122 = arith.constant 1 : i32
        scf.for %scan3A_124 = %scan3A_119 to %scan3A_121 step %scan3A_122  : i32 {
          %mul3A_125 = arith.constant 128 : i32
          %mul3A_126 = arith.muli %scan3A_124, %mul3A_125 : i32
          %dma_start3A_127 = arith.constant 0 : i32
          %dma_start3A_128 = arith.constant 0 : i32
          %dma_start3A_129 = tpu.memref_slice %arg6[%mul3A_126, %dma_start3A_128] : memref<3200x16xf32, #tpu.memory_space<vmem>> -> memref<128x16xf32, #tpu.memory_space<vmem>>
          %dma_start3A_130 = arith.constant 0 : i32
          %dma_start3A_131 = tpu.memref_slice %arg5[%scan3A_124, %dma_start3A_127, %add3A_117, %dma_start3A_130] : memref<25x1x8x128xi32, #tpu.memory_space<vmem>> -> memref<1x1x1x128xi32, #tpu.memory_space<vmem>>
          %dma_start3A_132 = tpu.memref_squeeze %dma_start3A_131 : memref<1x1x1x128xi32, #tpu.memory_space<vmem>> -> memref<128xi32, #tpu.memory_space<vmem>>
          %dma_start3A_133 = arith.constant 0 : i32
          %dma_start3A_134 = arith.constant 0 : i32
          %dma_start3A_135 = tpu.memref_slice %arg3[%dma_start3A_133, %dma_start3A_134] : memref<200000x16xf32, #tpu.memory_space<hbm>> -> memref<200000x16xf32, #tpu.memory_space<hbm>>
          tpu.enqueue_indirect_dma source(%dma_start3A_135 : memref<200000x16xf32, #tpu.memory_space<hbm>>) target(%dma_start3A_129 : memref<128x16xf32, #tpu.memory_space<vmem>>) offsets(%dma_start3A_132 : memref<128xi32, #tpu.memory_space<vmem>>) semaphore(%arg9 : memref<!tpu.dma_semaphore, #tpu.memory_space<semaphore_mem>>)
        }
        %scan3A_123 = arith.constant 25 : i32
      } else {
      }
      %dma_wait3A_94 = arith.constant 0 : i32
      %dma_wait3A_95 = arith.constant 0 : i32
      %dma_wait3A_96 = tpu.memref_slice %arg3[%dma_wait3A_94, %dma_wait3A_95] : memref<200000x16xf32, #tpu.memory_space<hbm>> -> memref<3200x16xf32, #tpu.memory_space<hbm>>
      %dma_wait3A_97 = arith.constant 0 : i32
      %dma_wait3A_98 = arith.constant 0 : i32
      %dma_wait3A_99 = tpu.memref_slice %arg3[%dma_wait3A_97, %dma_wait3A_98] : memref<200000x16xf32, #tpu.memory_space<hbm>> -> memref<3200x16xf32, #tpu.memory_space<hbm>>
      tpu.wait_dma2 semaphore(%arg10 : memref<!tpu.dma_semaphore, #tpu.memory_space<semaphore_mem>>) src(%dma_wait3A_99 : memref<3200x16xf32, #tpu.memory_space<hbm>>) dst(%arg7 : memref<3200x16xf32, #tpu.memory_space<vmem>>)
      %add3A_100 = arith.constant 1 : i32
      %add3A_101 = arith.addi %mul3A_60, %add3A_100 : i32
      %scan3A_102 = arith.constant 0 : i32
      %scan3A_103 = arith.constant 0 : i32
      %scan3A_104 = arith.constant 64 : i32
      %scan3A_105 = arith.addi %scan3A_103, %scan3A_104 : i32
      %scan3A_106 = arith.constant 1 : i32
      scf.for %scan3A_116 = %scan3A_103 to %scan3A_105 step %scan3A_106  : i32 {
        %broadcast_in_dim3A = arith.constant 0.000000e+00 : f32
        %broadcast_in_dim3A_117 = vector.broadcast %broadcast_in_dim3A : f32 to vector<16xf32>
        %mul3A_118 = arith.constant 2 : i32
        %mul3A_119 = arith.muli %scan3A_116, %mul3A_118 : i32
        %add3A_120 = arith.constant 0 : i32
        %add3A_121 = arith.addi %mul3A_119, %add3A_120 : i32
        %add3A_122 = arith.constant 0 : i32
        %add3A_123 = arith.addi %add3A_122, %add3A_121 : i32
        %get3A = arith.index_cast %add3A_123 : i32 to index
        %get3A_124 = arith.constant 0 : index
        %get3A_125 = tpu.vector_load %arg7[%get3A, %get3A_124] {strides = array<i32>} : memref<3200x16xf32, #tpu.memory_space<vmem>>, vector<1x16xf32>,
        %get3A_126 = vector.shape_cast %get3A_125 : vector<1x16xf32> to vector<16xf32>
        %add3A_127 = arith.addf %broadcast_in_dim3A_117, %get3A_126 : vector<16xf32>
        %add3A_128 = arith.constant 128 : i32
        %add3A_129 = arith.addi %add3A_128, %add3A_121 : i32
        %get3A_130 = arith.index_cast %add3A_129 : i32 to index
        %get3A_131 = arith.constant 0 : index
        %get3A_132 = tpu.vector_load %arg7[%get3A_130, %get3A_131] {strides = array<i32>} : memref<3200x16xf32, #tpu.memory_space<vmem>>, vector<1x16xf32>,
        %get3A_133 = vector.shape_cast %get3A_132 : vector<1x16xf32> to vector<16xf32>
        %add3A_134 = arith.addf %broadcast_in_dim3A_117, %get3A_133 : vector<16xf32>
        %add3A_135 = arith.constant 256 : i32
        %add3A_136 = arith.addi %add3A_135, %add3A_121 : i32
        %get3A_137 = arith.index_cast %add3A_136 : i32 to index
        %get3A_138 = arith.constant 0 : index
        %get3A_139 = tpu.vector_load %arg7[%get3A_137, %get3A_138] {strides = array<i32>} : memref<3200x16xf32, #tpu.memory_space<vmem>>, vector<1x16xf32>,
        %get3A_140 = vector.shape_cast %get3A_139 : vector<1x16xf32> to vector<16xf32>
        %add3A_141 = arith.addf %broadcast_in_dim3A_117, %get3A_140 : vector<16xf32>
        %add3A_142 = arith.constant 384 : i32
        %add3A_143 = arith.addi %add3A_142, %add3A_121 : i32
        %get3A_144 = arith.index_cast %add3A_143 : i32 to index
        %get3A_145 = arith.constant 0 : index
        %get3A_146 = tpu.vector_load %arg7[%get3A_144, %get3A_145] {strides = array<i32>} : memref<3200x16xf32, #tpu.memory_space<vmem>>, vector<1x16xf32>,
        %get3A_147 = vector.shape_cast %get3A_146 : vector<1x16xf32> to vector<16xf32>
        %add3A_148 = arith.addf %broadcast_in_dim3A_117, %get3A_147 : vector<16xf32>
        %add3A_149 = arith.constant 512 : i32
        %add3A_150 = arith.addi %add3A_149, %add3A_121 : i32
        %get3A_151 = arith.index_cast %add3A_150 : i32 to index
        %get3A_152 = arith.constant 0 : index
        %get3A_153 = tpu.vector_load %arg7[%get3A_151, %get3A_152] {strides = array<i32>} : memref<3200x16xf32, #tpu.memory_space<vmem>>, vector<1x16xf32>,
        %get3A_154 = vector.shape_cast %get3A_153 : vector<1x16xf32> to vector<16xf32>
        %add3A_155 = arith.addf %add3A_127, %get3A_154 : vector<16xf32>
        %add3A_156 = arith.constant 640 : i32
        %add3A_157 = arith.addi %add3A_156, %add3A_121 : i32
        %get3A_158 = arith.index_cast %add3A_157 : i32 to index
        %get3A_159 = arith.constant 0 : index
        %get3A_160 = tpu.vector_load %arg7[%get3A_158, %get3A_159] {strides = array<i32>} : memref<3200x16xf32, #tpu.memory_space<vmem>>, vector<1x16xf32>,
        %get3A_161 = vector.shape_cast %get3A_160 : vector<1x16xf32> to vector<16xf32>
        %add3A_162 = arith.addf %add3A_134, %get3A_161 : vector<16xf32>
        %add3A_163 = arith.constant 768 : i32
        %add3A_164 = arith.addi %add3A_163, %add3A_121 : i32
        %get3A_165 = arith.index_cast %add3A_164 : i32 to index
        %get3A_166 = arith.constant 0 : index
        %get3A_167 = tpu.vector_load %arg7[%get3A_165, %get3A_166] {strides = array<i32>} : memref<3200x16xf32, #tpu.memory_space<vmem>>, vector<1x16xf32>,
        %get3A_168 = vector.shape_cast %get3A_167 : vector<1x16xf32> to vector<16xf32>
        %add3A_169 = arith.addf %add3A_141, %get3A_168 : vector<16xf32>
        %add3A_170 = arith.constant 896 : i32
        %add3A_171 = arith.addi %add3A_170, %add3A_121 : i32
        %get3A_172 = arith.index_cast %add3A_171 : i32 to index
        %get3A_173 = arith.constant 0 : index
        %get3A_174 = tpu.vector_load %arg7[%get3A_172, %get3A_173] {strides = array<i32>} : memref<3200x16xf32, #tpu.memory_space<vmem>>, vector<1x16xf32>,
        %get3A_175 = vector.shape_cast %get3A_174 : vector<1x16xf32> to vector<16xf32>
        %add3A_176 = arith.addf %add3A_148, %get3A_175 : vector<16xf32>
        %add3A_177 = arith.constant 1024 : i32
        %add3A_178 = arith.addi %add3A_177, %add3A_121 : i32
        %get3A_179 = arith.index_cast %add3A_178 : i32 to index
        %get3A_180 = arith.constant 0 : index
        %get3A_181 = tpu.vector_load %arg7[%get3A_179, %get3A_180] {strides = array<i32>} : memref<3200x16xf32, #tpu.memory_space<vmem>>, vector<1x16xf32>,
        %get3A_182 = vector.shape_cast %get3A_181 : vector<1x16xf32> to vector<16xf32>
        %add3A_183 = arith.addf %add3A_155, %get3A_182 : vector<16xf32>
        %add3A_184 = arith.constant 1152 : i32
        %add3A_185 = arith.addi %add3A_184, %add3A_121 : i32
        %get3A_186 = arith.index_cast %add3A_185 : i32 to index
        %get3A_187 = arith.constant 0 : index
        %get3A_188 = tpu.vector_load %arg7[%get3A_186, %get3A_187] {strides = array<i32>} : memref<3200x16xf32, #tpu.memory_space<vmem>>, vector<1x16xf32>,
        %get3A_189 = vector.shape_cast %get3A_188 : vector<1x16xf32> to vector<16xf32>
        %add3A_190 = arith.addf %add3A_162, %get3A_189 : vector<16xf32>
        %add3A_191 = arith.constant 1280 : i32
        %add3A_192 = arith.addi %add3A_191, %add3A_121 : i32
        %get3A_193 = arith.index_cast %add3A_192 : i32 to index
        %get3A_194 = arith.constant 0 : index
        %get3A_195 = tpu.vector_load %arg7[%get3A_193, %get3A_194] {strides = array<i32>} : memref<3200x16xf32, #tpu.memory_space<vmem>>, vector<1x16xf32>,
        %get3A_196 = vector.shape_cast %get3A_195 : vector<1x16xf32> to vector<16xf32>
        %add3A_197 = arith.addf %add3A_169, %get3A_196 : vector<16xf32>
        %add3A_198 = arith.constant 1408 : i32
        %add3A_199 = arith.addi %add3A_198, %add3A_121 : i32
        %get3A_200 = arith.index_cast %add3A_199 : i32 to index
        %get3A_201 = arith.constant 0 : index
        %get3A_202 = tpu.vector_load %arg7[%get3A_200, %get3A_201] {strides = array<i32>} : memref<3200x16xf32, #tpu.memory_space<vmem>>, vector<1x16xf32>,
        %get3A_203 = vector.shape_cast %get3A_202 : vector<1x16xf32> to vector<16xf32>
        %add3A_204 = arith.addf %add3A_176, %get3A_203 : vector<16xf32>
        %add3A_205 = arith.constant 1536 : i32
        %add3A_206 = arith.addi %add3A_205, %add3A_121 : i32
        %get3A_207 = arith.index_cast %add3A_206 : i32 to index
        %get3A_208 = arith.constant 0 : index
        %get3A_209 = tpu.vector_load %arg7[%get3A_207, %get3A_208] {strides = array<i32>} : memref<3200x16xf32, #tpu.memory_space<vmem>>, vector<1x16xf32>,
        %get3A_210 = vector.shape_cast %get3A_209 : vector<1x16xf32> to vector<16xf32>
        %add3A_211 = arith.addf %add3A_183, %get3A_210 : vector<16xf32>
        %add3A_212 = arith.constant 1664 : i32
        %add3A_213 = arith.addi %add3A_212, %add3A_121 : i32
        %get3A_214 = arith.index_cast %add3A_213 : i32 to index
        %get3A_215 = arith.constant 0 : index
        %get3A_216 = tpu.vector_load %arg7[%get3A_214, %get3A_215] {strides = array<i32>} : memref<3200x16xf32, #tpu.memory_space<vmem>>, vector<1x16xf32>,
        %get3A_217 = vector.shape_cast %get3A_216 : vector<1x16xf32> to vector<16xf32>
        %add3A_218 = arith.addf %add3A_190, %get3A_217 : vector<16xf32>
        %add3A_219 = arith.constant 1792 : i32
        %add3A_220 = arith.addi %add3A_219, %add3A_121 : i32
        %get3A_221 = arith.index_cast %add3A_220 : i32 to index
        %get3A_222 = arith.constant 0 : index
        %get3A_223 = tpu.vector_load %arg7[%get3A_221, %get3A_222] {strides = array<i32>} : memref<3200x16xf32, #tpu.memory_space<vmem>>, vector<1x16xf32>,
        %get3A_224 = vector.shape_cast %get3A_223 : vector<1x16xf32> to vector<16xf32>
        %add3A_225 = arith.addf %add3A_197, %get3A_224 : vector<16xf32>
        %add3A_226 = arith.constant 1920 : i32
        %add3A_227 = arith.addi %add3A_226, %add3A_121 : i32
        %get3A_228 = arith.index_cast %add3A_227 : i32 to index
        %get3A_229 = arith.constant 0 : index
        %get3A_230 = tpu.vector_load %arg7[%get3A_228, %get3A_229] {strides = array<i32>} : memref<3200x16xf32, #tpu.memory_space<vmem>>, vector<1x16xf32>,
        %get3A_231 = vector.shape_cast %get3A_230 : vector<1x16xf32> to vector<16xf32>
        %add3A_232 = arith.addf %add3A_204, %get3A_231 : vector<16xf32>
        %add3A_233 = arith.constant 2048 : i32
        %add3A_234 = arith.addi %add3A_233, %add3A_121 : i32
        %get3A_235 = arith.index_cast %add3A_234 : i32 to index
        %get3A_236 = arith.constant 0 : index
        %get3A_237 = tpu.vector_load %arg7[%get3A_235, %get3A_236] {strides = array<i32>} : memref<3200x16xf32, #tpu.memory_space<vmem>>, vector<1x16xf32>,
        %get3A_238 = vector.shape_cast %get3A_237 : vector<1x16xf32> to vector<16xf32>
        %add3A_239 = arith.addf %add3A_211, %get3A_238 : vector<16xf32>
        %add3A_240 = arith.constant 2176 : i32
        %add3A_241 = arith.addi %add3A_240, %add3A_121 : i32
        %get3A_242 = arith.index_cast %add3A_241 : i32 to index
        %get3A_243 = arith.constant 0 : index
        %get3A_244 = tpu.vector_load %arg7[%get3A_242, %get3A_243] {strides = array<i32>} : memref<3200x16xf32, #tpu.memory_space<vmem>>, vector<1x16xf32>,
        %get3A_245 = vector.shape_cast %get3A_244 : vector<1x16xf32> to vector<16xf32>
        %add3A_246 = arith.addf %add3A_218, %get3A_245 : vector<16xf32>
        %add3A_247 = arith.constant 2304 : i32
        %add3A_248 = arith.addi %add3A_247, %add3A_121 : i32
        %get3A_249 = arith.index_cast %add3A_248 : i32 to index
        %get3A_250 = arith.constant 0 : index
        %get3A_251 = tpu.vector_load %arg7[%get3A_249, %get3A_250] {strides = array<i32>} : memref<3200x16xf32, #tpu.memory_space<vmem>>, vector<1x16xf32>,
        %get3A_252 = vector.shape_cast %get3A_251 : vector<1x16xf32> to vector<16xf32>
        %add3A_253 = arith.addf %add3A_225, %get3A_252 : vector<16xf32>
        %add3A_254 = arith.constant 2432 : i32
        %add3A_255 = arith.addi %add3A_254, %add3A_121 : i32
        %get3A_256 = arith.index_cast %add3A_255 : i32 to index
        %get3A_257 = arith.constant 0 : index
        %get3A_258 = tpu.vector_load %arg7[%get3A_256, %get3A_257] {strides = array<i32>} : memref<3200x16xf32, #tpu.memory_space<vmem>>, vector<1x16xf32>,
        %get3A_259 = vector.shape_cast %get3A_258 : vector<1x16xf32> to vector<16xf32>
        %add3A_260 = arith.addf %add3A_232, %get3A_259 : vector<16xf32>
        %add3A_261 = arith.constant 2560 : i32
        %add3A_262 = arith.addi %add3A_261, %add3A_121 : i32
        %get3A_263 = arith.index_cast %add3A_262 : i32 to index
        %get3A_264 = arith.constant 0 : index
        %get3A_265 = tpu.vector_load %arg7[%get3A_263, %get3A_264] {strides = array<i32>} : memref<3200x16xf32, #tpu.memory_space<vmem>>, vector<1x16xf32>,
        %get3A_266 = vector.shape_cast %get3A_265 : vector<1x16xf32> to vector<16xf32>
        %add3A_267 = arith.addf %add3A_239, %get3A_266 : vector<16xf32>
        %add3A_268 = arith.constant 2688 : i32
        %add3A_269 = arith.addi %add3A_268, %add3A_121 : i32
        %get3A_270 = arith.index_cast %add3A_269 : i32 to index
        %get3A_271 = arith.constant 0 : index
        %get3A_272 = tpu.vector_load %arg7[%get3A_270, %get3A_271] {strides = array<i32>} : memref<3200x16xf32, #tpu.memory_space<vmem>>, vector<1x16xf32>,
        %get3A_273 = vector.shape_cast %get3A_272 : vector<1x16xf32> to vector<16xf32>
        %add3A_274 = arith.addf %add3A_246, %get3A_273 : vector<16xf32>
        %add3A_275 = arith.constant 2816 : i32
        %add3A_276 = arith.addi %add3A_275, %add3A_121 : i32
        %get3A_277 = arith.index_cast %add3A_276 : i32 to index
        %get3A_278 = arith.constant 0 : index
        %get3A_279 = tpu.vector_load %arg7[%get3A_277, %get3A_278] {strides = array<i32>} : memref<3200x16xf32, #tpu.memory_space<vmem>>, vector<1x16xf32>,
        %get3A_280 = vector.shape_cast %get3A_279 : vector<1x16xf32> to vector<16xf32>
        %add3A_281 = arith.addf %add3A_253, %get3A_280 : vector<16xf32>
        %add3A_282 = arith.constant 2944 : i32
        %add3A_283 = arith.addi %add3A_282, %add3A_121 : i32
        %get3A_284 = arith.index_cast %add3A_283 : i32 to index
        %get3A_285 = arith.constant 0 : index
        %get3A_286 = tpu.vector_load %arg7[%get3A_284, %get3A_285] {strides = array<i32>} : memref<3200x16xf32, #tpu.memory_space<vmem>>, vector<1x16xf32>,
        %get3A_287 = vector.shape_cast %get3A_286 : vector<1x16xf32> to vector<16xf32>
        %add3A_288 = arith.addf %add3A_260, %get3A_287 : vector<16xf32>
        %add3A_289 = arith.constant 3072 : i32
        %add3A_290 = arith.addi %add3A_289, %add3A_121 : i32
        %get3A_291 = arith.index_cast %add3A_290 : i32 to index
        %get3A_292 = arith.constant 0 : index
        %get3A_293 = tpu.vector_load %arg7[%get3A_291, %get3A_292] {strides = array<i32>} : memref<3200x16xf32, #tpu.memory_space<vmem>>, vector<1x16xf32>,
        %get3A_294 = vector.shape_cast %get3A_293 : vector<1x16xf32> to vector<16xf32>
        %add3A_295 = arith.addf %add3A_267, %get3A_294 : vector<16xf32>
        %add3A_296 = arith.addf %add3A_295, %add3A_274 : vector<16xf32>
        %add3A_297 = arith.addf %add3A_281, %add3A_288 : vector<16xf32>
        %add3A_298 = arith.addf %add3A_296, %add3A_297 : vector<16xf32>
        %swap3A = arith.index_cast %add3A_121 : i32 to index
        %swap3A_299 = arith.constant 0 : index
        %swap3A_300 = tpu.vector_load %arg8[%swap3A, %swap3A_299] {strides = array<i32>} : memref<128x16xf32, #tpu.memory_space<vmem>>, vector<1x16xf32>,
        %swap3A_301 = vector.shape_cast %swap3A_300 : vector<1x16xf32> to vector<16xf32>
        %swap3A_302 = vector.shape_cast %add3A_298 : vector<16xf32> to vector<1x16xf32>
        tpu.vector_store %arg8[%swap3A, %swap3A_299], %swap3A_302 {strides = array<i32>} : memref<128x16xf32, #tpu.memory_space<vmem>>, vector<1x16xf32>,
        %mul3A_303 = arith.constant 2 : i32
        %mul3A_304 = arith.muli %scan3A_116, %mul3A_303 : i32
        %add3A_305 = arith.constant 1 : i32
        %add3A_306 = arith.addi %mul3A_304, %add3A_305 : i32
        %add3A_307 = arith.constant 0 : i32
        %add3A_308 = arith.addi %add3A_307, %add3A_306 : i32
        %get3A_309 = arith.index_cast %add3A_308 : i32 to index
        %get3A_310 = arith.constant 0 : index
        %get3A_311 = tpu.vector_load %arg7[%get3A_309, %get3A_310] {strides = array<i32>} : memref<3200x16xf32, #tpu.memory_space<vmem>>, vector<1x16xf32>,
        %get3A_312 = vector.shape_cast %get3A_311 : vector<1x16xf32> to vector<16xf32>
        %add3A_313 = arith.addf %broadcast_in_dim3A_117, %get3A_312 : vector<16xf32>
        %add3A_314 = arith.constant 128 : i32
        %add3A_315 = arith.addi %add3A_314, %add3A_306 : i32
        %get3A_316 = arith.index_cast %add3A_315 : i32 to index
        %get3A_317 = arith.constant 0 : index
        %get3A_318 = tpu.vector_load %arg7[%get3A_316, %get3A_317] {strides = array<i32>} : memref<3200x16xf32, #tpu.memory_space<vmem>>, vector<1x16xf32>,
        %get3A_319 = vector.shape_cast %get3A_318 : vector<1x16xf32> to vector<16xf32>
        %add3A_320 = arith.addf %broadcast_in_dim3A_117, %get3A_319 : vector<16xf32>
        %add3A_321 = arith.constant 256 : i32
        %add3A_322 = arith.addi %add3A_321, %add3A_306 : i32
        %get3A_323 = arith.index_cast %add3A_322 : i32 to index
        %get3A_324 = arith.constant 0 : index
        %get3A_325 = tpu.vector_load %arg7[%get3A_323, %get3A_324] {strides = array<i32>} : memref<3200x16xf32, #tpu.memory_space<vmem>>, vector<1x16xf32>,
        %get3A_326 = vector.shape_cast %get3A_325 : vector<1x16xf32> to vector<16xf32>
        %add3A_327 = arith.addf %broadcast_in_dim3A_117, %get3A_326 : vector<16xf32>
        %add3A_328 = arith.constant 384 : i32
        %add3A_329 = arith.addi %add3A_328, %add3A_306 : i32
        %get3A_330 = arith.index_cast %add3A_329 : i32 to index
        %get3A_331 = arith.constant 0 : index
        %get3A_332 = tpu.vector_load %arg7[%get3A_330, %get3A_331] {strides = array<i32>} : memref<3200x16xf32, #tpu.memory_space<vmem>>, vector<1x16xf32>,
        %get3A_333 = vector.shape_cast %get3A_332 : vector<1x16xf32> to vector<16xf32>
        %add3A_334 = arith.addf %broadcast_in_dim3A_117, %get3A_333 : vector<16xf32>
        %add3A_335 = arith.constant 512 : i32
        %add3A_336 = arith.addi %add3A_335, %add3A_306 : i32
        %get3A_337 = arith.index_cast %add3A_336 : i32 to index
        %get3A_338 = arith.constant 0 : index
        %get3A_339 = tpu.vector_load %arg7[%get3A_337, %get3A_338] {strides = array<i32>} : memref<3200x16xf32, #tpu.memory_space<vmem>>, vector<1x16xf32>,
        %get3A_340 = vector.shape_cast %get3A_339 : vector<1x16xf32> to vector<16xf32>
        %add3A_341 = arith.addf %add3A_313, %get3A_340 : vector<16xf32>
        %add3A_342 = arith.constant 640 : i32
        %add3A_343 = arith.addi %add3A_342, %add3A_306 : i32
        %get3A_344 = arith.index_cast %add3A_343 : i32 to index
        %get3A_345 = arith.constant 0 : index
        %get3A_346 = tpu.vector_load %arg7[%get3A_344, %get3A_345] {strides = array<i32>} : memref<3200x16xf32, #tpu.memory_space<vmem>>, vector<1x16xf32>,
        %get3A_347 = vector.shape_cast %get3A_346 : vector<1x16xf32> to vector<16xf32>
        %add3A_348 = arith.addf %add3A_320, %get3A_347 : vector<16xf32>
        %add3A_349 = arith.constant 768 : i32
        %add3A_350 = arith.addi %add3A_349, %add3A_306 : i32
        %get3A_351 = arith.index_cast %add3A_350 : i32 to index
        %get3A_352 = arith.constant 0 : index
        %get3A_353 = tpu.vector_load %arg7[%get3A_351, %get3A_352] {strides = array<i32>} : memref<3200x16xf32, #tpu.memory_space<vmem>>, vector<1x16xf32>,
        %get3A_354 = vector.shape_cast %get3A_353 : vector<1x16xf32> to vector<16xf32>
        %add3A_355 = arith.addf %add3A_327, %get3A_354 : vector<16xf32>
        %add3A_356 = arith.constant 896 : i32
        %add3A_357 = arith.addi %add3A_356, %add3A_306 : i32
        %get3A_358 = arith.index_cast %add3A_357 : i32 to index
        %get3A_359 = arith.constant 0 : index
        %get3A_360 = tpu.vector_load %arg7[%get3A_358, %get3A_359] {strides = array<i32>} : memref<3200x16xf32, #tpu.memory_space<vmem>>, vector<1x16xf32>,
        %get3A_361 = vector.shape_cast %get3A_360 : vector<1x16xf32> to vector<16xf32>
        %add3A_362 = arith.addf %add3A_334, %get3A_361 : vector<16xf32>
        %add3A_363 = arith.constant 1024 : i32
        %add3A_364 = arith.addi %add3A_363, %add3A_306 : i32
        %get3A_365 = arith.index_cast %add3A_364 : i32 to index
        %get3A_366 = arith.constant 0 : index
        %get3A_367 = tpu.vector_load %arg7[%get3A_365, %get3A_366] {strides = array<i32>} : memref<3200x16xf32, #tpu.memory_space<vmem>>, vector<1x16xf32>,
        %get3A_368 = vector.shape_cast %get3A_367 : vector<1x16xf32> to vector<16xf32>
        %add3A_369 = arith.addf %add3A_341, %get3A_368 : vector<16xf32>
        %add3A_370 = arith.constant 1152 : i32
        %add3A_371 = arith.addi %add3A_370, %add3A_306 : i32
        %get3A_372 = arith.index_cast %add3A_371 : i32 to index
        %get3A_373 = arith.constant 0 : index
        %get3A_374 = tpu.vector_load %arg7[%get3A_372, %get3A_373] {strides = array<i32>} : memref<3200x16xf32, #tpu.memory_space<vmem>>, vector<1x16xf32>,
        %get3A_375 = vector.shape_cast %get3A_374 : vector<1x16xf32> to vector<16xf32>
        %add3A_376 = arith.addf %add3A_348, %get3A_375 : vector<16xf32>
        %add3A_377 = arith.constant 1280 : i32
        %add3A_378 = arith.addi %add3A_377, %add3A_306 : i32
        %get3A_379 = arith.index_cast %add3A_378 : i32 to index
        %get3A_380 = arith.constant 0 : index
        %get3A_381 = tpu.vector_load %arg7[%get3A_379, %get3A_380] {strides = array<i32>} : memref<3200x16xf32, #tpu.memory_space<vmem>>, vector<1x16xf32>,
        %get3A_382 = vector.shape_cast %get3A_381 : vector<1x16xf32> to vector<16xf32>
        %add3A_383 = arith.addf %add3A_355, %get3A_382 : vector<16xf32>
        %add3A_384 = arith.constant 1408 : i32
        %add3A_385 = arith.addi %add3A_384, %add3A_306 : i32
        %get3A_386 = arith.index_cast %add3A_385 : i32 to index
        %get3A_387 = arith.constant 0 : index
        %get3A_388 = tpu.vector_load %arg7[%get3A_386, %get3A_387] {strides = array<i32>} : memref<3200x16xf32, #tpu.memory_space<vmem>>, vector<1x16xf32>,
        %get3A_389 = vector.shape_cast %get3A_388 : vector<1x16xf32> to vector<16xf32>
        %add3A_390 = arith.addf %add3A_362, %get3A_389 : vector<16xf32>
        %add3A_391 = arith.constant 1536 : i32
        %add3A_392 = arith.addi %add3A_391, %add3A_306 : i32
        %get3A_393 = arith.index_cast %add3A_392 : i32 to index
        %get3A_394 = arith.constant 0 : index
        %get3A_395 = tpu.vector_load %arg7[%get3A_393, %get3A_394] {strides = array<i32>} : memref<3200x16xf32, #tpu.memory_space<vmem>>, vector<1x16xf32>,
        %get3A_396 = vector.shape_cast %get3A_395 : vector<1x16xf32> to vector<16xf32>
        %add3A_397 = arith.addf %add3A_369, %get3A_396 : vector<16xf32>
        %add3A_398 = arith.constant 1664 : i32
        %add3A_399 = arith.addi %add3A_398, %add3A_306 : i32
        %get3A_400 = arith.index_cast %add3A_399 : i32 to index
        %get3A_401 = arith.constant 0 : index
        %get3A_402 = tpu.vector_load %arg7[%get3A_400, %get3A_401] {strides = array<i32>} : memref<3200x16xf32, #tpu.memory_space<vmem>>, vector<1x16xf32>,
        %get3A_403 = vector.shape_cast %get3A_402 : vector<1x16xf32> to vector<16xf32>
        %add3A_404 = arith.addf %add3A_376, %get3A_403 : vector<16xf32>
        %add3A_405 = arith.constant 1792 : i32
        %add3A_406 = arith.addi %add3A_405, %add3A_306 : i32
        %get3A_407 = arith.index_cast %add3A_406 : i32 to index
        %get3A_408 = arith.constant 0 : index
        %get3A_409 = tpu.vector_load %arg7[%get3A_407, %get3A_408] {strides = array<i32>} : memref<3200x16xf32, #tpu.memory_space<vmem>>, vector<1x16xf32>,
        %get3A_410 = vector.shape_cast %get3A_409 : vector<1x16xf32> to vector<16xf32>
        %add3A_411 = arith.addf %add3A_383, %get3A_410 : vector<16xf32>
        %add3A_412 = arith.constant 1920 : i32
        %add3A_413 = arith.addi %add3A_412, %add3A_306 : i32
        %get3A_414 = arith.index_cast %add3A_413 : i32 to index
        %get3A_415 = arith.constant 0 : index
        %get3A_416 = tpu.vector_load %arg7[%get3A_414, %get3A_415] {strides = array<i32>} : memref<3200x16xf32, #tpu.memory_space<vmem>>, vector<1x16xf32>,
        %get3A_417 = vector.shape_cast %get3A_416 : vector<1x16xf32> to vector<16xf32>
        %add3A_418 = arith.addf %add3A_390, %get3A_417 : vector<16xf32>
        %add3A_419 = arith.constant 2048 : i32
        %add3A_420 = arith.addi %add3A_419, %add3A_306 : i32
        %get3A_421 = arith.index_cast %add3A_420 : i32 to index
        %get3A_422 = arith.constant 0 : index
        %get3A_423 = tpu.vector_load %arg7[%get3A_421, %get3A_422] {strides = array<i32>} : memref<3200x16xf32, #tpu.memory_space<vmem>>, vector<1x16xf32>,
        %get3A_424 = vector.shape_cast %get3A_423 : vector<1x16xf32> to vector<16xf32>
        %add3A_425 = arith.addf %add3A_397, %get3A_424 : vector<16xf32>
        %add3A_426 = arith.constant 2176 : i32
        %add3A_427 = arith.addi %add3A_426, %add3A_306 : i32
        %get3A_428 = arith.index_cast %add3A_427 : i32 to index
        %get3A_429 = arith.constant 0 : index
        %get3A_430 = tpu.vector_load %arg7[%get3A_428, %get3A_429] {strides = array<i32>} : memref<3200x16xf32, #tpu.memory_space<vmem>>, vector<1x16xf32>,
        %get3A_431 = vector.shape_cast %get3A_430 : vector<1x16xf32> to vector<16xf32>
        %add3A_432 = arith.addf %add3A_404, %get3A_431 : vector<16xf32>
        %add3A_433 = arith.constant 2304 : i32
        %add3A_434 = arith.addi %add3A_433, %add3A_306 : i32
        %get3A_435 = arith.index_cast %add3A_434 : i32 to index
        %get3A_436 = arith.constant 0 : index
        %get3A_437 = tpu.vector_load %arg7[%get3A_435, %get3A_436] {strides = array<i32>} : memref<3200x16xf32, #tpu.memory_space<vmem>>, vector<1x16xf32>,
        %get3A_438 = vector.shape_cast %get3A_437 : vector<1x16xf32> to vector<16xf32>
        %add3A_439 = arith.addf %add3A_411, %get3A_438 : vector<16xf32>
        %add3A_440 = arith.constant 2432 : i32
        %add3A_441 = arith.addi %add3A_440, %add3A_306 : i32
        %get3A_442 = arith.index_cast %add3A_441 : i32 to index
        %get3A_443 = arith.constant 0 : index
        %get3A_444 = tpu.vector_load %arg7[%get3A_442, %get3A_443] {strides = array<i32>} : memref<3200x16xf32, #tpu.memory_space<vmem>>, vector<1x16xf32>,
        %get3A_445 = vector.shape_cast %get3A_444 : vector<1x16xf32> to vector<16xf32>
        %add3A_446 = arith.addf %add3A_418, %get3A_445 : vector<16xf32>
        %add3A_447 = arith.constant 2560 : i32
        %add3A_448 = arith.addi %add3A_447, %add3A_306 : i32
        %get3A_449 = arith.index_cast %add3A_448 : i32 to index
        %get3A_450 = arith.constant 0 : index
        %get3A_451 = tpu.vector_load %arg7[%get3A_449, %get3A_450] {strides = array<i32>} : memref<3200x16xf32, #tpu.memory_space<vmem>>, vector<1x16xf32>,
        %get3A_452 = vector.shape_cast %get3A_451 : vector<1x16xf32> to vector<16xf32>
        %add3A_453 = arith.addf %add3A_425, %get3A_452 : vector<16xf32>
        %add3A_454 = arith.constant 2688 : i32
        %add3A_455 = arith.addi %add3A_454, %add3A_306 : i32
        %get3A_456 = arith.index_cast %add3A_455 : i32 to index
        %get3A_457 = arith.constant 0 : index
        %get3A_458 = tpu.vector_load %arg7[%get3A_456, %get3A_457] {strides = array<i32>} : memref<3200x16xf32, #tpu.memory_space<vmem>>, vector<1x16xf32>,
        %get3A_459 = vector.shape_cast %get3A_458 : vector<1x16xf32> to vector<16xf32>
        %add3A_460 = arith.addf %add3A_432, %get3A_459 : vector<16xf32>
        %add3A_461 = arith.constant 2816 : i32
        %add3A_462 = arith.addi %add3A_461, %add3A_306 : i32
        %get3A_463 = arith.index_cast %add3A_462 : i32 to index
        %get3A_464 = arith.constant 0 : index
        %get3A_465 = tpu.vector_load %arg7[%get3A_463, %get3A_464] {strides = array<i32>} : memref<3200x16xf32, #tpu.memory_space<vmem>>, vector<1x16xf32>,
        %get3A_466 = vector.shape_cast %get3A_465 : vector<1x16xf32> to vector<16xf32>
        %add3A_467 = arith.addf %add3A_439, %get3A_466 : vector<16xf32>
        %add3A_468 = arith.constant 2944 : i32
        %add3A_469 = arith.addi %add3A_468, %add3A_306 : i32
        %get3A_470 = arith.index_cast %add3A_469 : i32 to index
        %get3A_471 = arith.constant 0 : index
        %get3A_472 = tpu.vector_load %arg7[%get3A_470, %get3A_471] {strides = array<i32>} : memref<3200x16xf32, #tpu.memory_space<vmem>>, vector<1x16xf32>,
        %get3A_473 = vector.shape_cast %get3A_472 : vector<1x16xf32> to vector<16xf32>
        %add3A_474 = arith.addf %add3A_446, %get3A_473 : vector<16xf32>
        %add3A_475 = arith.constant 3072 : i32
        %add3A_476 = arith.addi %add3A_475, %add3A_306 : i32
        %get3A_477 = arith.index_cast %add3A_476 : i32 to index
        %get3A_478 = arith.constant 0 : index
        %get3A_479 = tpu.vector_load %arg7[%get3A_477, %get3A_478] {strides = array<i32>} : memref<3200x16xf32, #tpu.memory_space<vmem>>, vector<1x16xf32>,
        %get3A_480 = vector.shape_cast %get3A_479 : vector<1x16xf32> to vector<16xf32>
        %add3A_481 = arith.addf %add3A_453, %get3A_480 : vector<16xf32>
        %add3A_482 = arith.addf %add3A_481, %add3A_460 : vector<16xf32>
        %add3A_483 = arith.addf %add3A_467, %add3A_474 : vector<16xf32>
        %add3A_484 = arith.addf %add3A_482, %add3A_483 : vector<16xf32>
        %swap3A_485 = arith.index_cast %add3A_306 : i32 to index
        %swap3A_486 = arith.constant 0 : index
        %swap3A_487 = tpu.vector_load %arg8[%swap3A_485, %swap3A_486] {strides = array<i32>} : memref<128x16xf32, #tpu.memory_space<vmem>>, vector<1x16xf32>,
        %swap3A_488 = vector.shape_cast %swap3A_487 : vector<1x16xf32> to vector<16xf32>
        %swap3A_489 = vector.shape_cast %add3A_484 : vector<16xf32> to vector<1x16xf32>
        tpu.vector_store %arg8[%swap3A_485, %swap3A_486], %swap3A_489 {strides = array<i32>} : memref<128x16xf32, #tpu.memory_space<vmem>>, vector<1x16xf32>,
      }
      %scan3A_107 = arith.constant 64 : i32
      %mul3A_108 = arith.constant 4096 : i32
      %mul3A_109 = arith.muli %select_n3A, %mul3A_108 : i32
      %mul3A_110 = arith.constant 1024 : i32
      %mul3A_111 = arith.muli %select_n3A_30, %mul3A_110 : i32
      %add3A_112 = arith.addi %mul3A_109, %mul3A_111 : i32
      %mul3A_113 = arith.constant 128 : i32
      %mul3A_114 = arith.muli %add3A_101, %mul3A_113 : i32
      %add3A_115 = arith.addi %add3A_112, %mul3A_114 : i32
      "tpu.region"() ({
        %run_scoped3A = tpu.sem_alloc : memref<!tpu.dma_semaphore, #tpu.memory_space<semaphore_mem>>
        %dma_start3A_116 = arith.constant 0 : i32
        %dma_start3A_117 = tpu.memref_slice %arg4[%add3A_115, %dma_start3A_116] : memref<32768x16xf32, #tpu.memory_space<hbm>> -> memref<128x16xf32, #tpu.memory_space<hbm>>
        %dma_start3A_118 = arith.constant 0 : i32
        %dma_start3A_119 = tpu.memref_slice %arg4[%add3A_115, %dma_start3A_118] : memref<32768x16xf32, #tpu.memory_space<hbm>> -> memref<128x16xf32, #tpu.memory_space<hbm>>
        tpu.enqueue_dma source(%arg8 : memref<128x16xf32, #tpu.memory_space<vmem>>) target(%dma_start3A_119 : memref<128x16xf32, #tpu.memory_space<hbm>>) target_semaphore(%run_scoped3A : memref<!tpu.dma_semaphore, #tpu.memory_space<semaphore_mem>>)
        %dma_wait3A_120 = arith.constant 0 : i32
        %dma_wait3A_121 = tpu.memref_slice %arg4[%add3A_115, %dma_wait3A_120] : memref<32768x16xf32, #tpu.memory_space<hbm>> -> memref<128x16xf32, #tpu.memory_space<hbm>>
        %dma_wait3A_122 = arith.constant 0 : i32
        %dma_wait3A_123 = tpu.memref_slice %arg4[%add3A_115, %dma_wait3A_122] : memref<32768x16xf32, #tpu.memory_space<hbm>> -> memref<128x16xf32, #tpu.memory_space<hbm>>
        tpu.wait_dma2 semaphore(%run_scoped3A : memref<!tpu.dma_semaphore, #tpu.memory_space<semaphore_mem>>) src(%arg8 : memref<128x16xf32, #tpu.memory_space<vmem>>) dst(%dma_wait3A_123 : memref<128x16xf32, #tpu.memory_space<hbm>>)
        tpu.yield
      }) : () -> ()
    }
    %scan3A_57 = arith.constant 4 : i32
    return
  }
}

module attributes {stable_mosaic.version = 14 : i64} {
  func.func @_ptable_body(%arg0: memref<1000x128xbf16, #tpu.memory_space<vmem>>, %arg1: memref<128x3200xbf16, #tpu.memory_space<vmem>>, %arg2: memref<25x1000x128xf32, #tpu.memory_space<vmem>>) attributes {dimension_semantics = [], scalar_prefetch = 0 : i64, scratch_operands = 0 : i64, tpu.core_type = #tpu.core_type<tc>} {
    %get3A = arith.constant 0 : index
    %get3A_0 = arith.constant 0 : index
    %get3A_1 = vector.load %arg0[%get3A, %get3A_0] : memref<1000x128xbf16, #tpu.memory_space<vmem>>, vector<1000x128xbf16>
    %get3A_2 = arith.constant 0 : index
    %get3A_3 = arith.constant 0 : index
    %get3A_4 = vector.load %arg1[%get3A_2, %get3A_3] : memref<128x3200xbf16, #tpu.memory_space<vmem>>, vector<128x128xbf16>
    %dot_general3A = arith.constant dense<0.000000e+00> : vector<1000x128xf32>
    %dot_general3A_5 = tpu.matmul %get3A_1, %get3A_4, %dot_general3A {dimension_numbers = #tpu.dot_dimension_numbers<[1], [0], [0], [1], [0, 0, 1, 1], [], []>, transpose_lhs_hint = false} : vector<1000x128xbf16>, vector<128x128xbf16>, vector<1000x128xf32> -> vector<1000x128xf32>
    %swap3A = arith.constant 0 : index
    %swap3A_6 = arith.constant 0 : index
    %swap3A_7 = arith.constant 0 : index
    %swap3A_8 = vector.load %arg2[%swap3A, %swap3A_6, %swap3A_7] : memref<25x1000x128xf32, #tpu.memory_space<vmem>>, vector<1x1000x128xf32>
    %swap3A_9 = vector.shape_cast %swap3A_8 : vector<1x1000x128xf32> to vector<1000x128xf32>
    %swap3A_10 = vector.shape_cast %dot_general3A_5 : vector<1000x128xf32> to vector<1x1000x128xf32>
    tpu.vector_store %arg2[%swap3A, %swap3A_6, %swap3A_7], %swap3A_10 {strides = array<i32>} : memref<25x1000x128xf32, #tpu.memory_space<vmem>>, vector<1x1000x128xf32>,
    %get3A_11 = arith.constant 0 : index
    %get3A_12 = arith.constant 128 : index
    %get3A_13 = vector.load %arg1[%get3A_11, %get3A_12] : memref<128x3200xbf16, #tpu.memory_space<vmem>>, vector<128x128xbf16>
    %dot_general3A_14 = arith.constant dense<0.000000e+00> : vector<1000x128xf32>
    %dot_general3A_15 = tpu.matmul %get3A_1, %get3A_13, %dot_general3A_14 {dimension_numbers = #tpu.dot_dimension_numbers<[1], [0], [0], [1], [0, 0, 1, 1], [], []>, transpose_lhs_hint = false} : vector<1000x128xbf16>, vector<128x128xbf16>, vector<1000x128xf32> -> vector<1000x128xf32>
    %swap3A_16 = arith.constant 1 : index
    %swap3A_17 = arith.constant 0 : index
    %swap3A_18 = arith.constant 0 : index
    %swap3A_19 = vector.load %arg2[%swap3A_16, %swap3A_17, %swap3A_18] : memref<25x1000x128xf32, #tpu.memory_space<vmem>>, vector<1x1000x128xf32>
    %swap3A_20 = vector.shape_cast %swap3A_19 : vector<1x1000x128xf32> to vector<1000x128xf32>
    %swap3A_21 = vector.shape_cast %dot_general3A_15 : vector<1000x128xf32> to vector<1x1000x128xf32>
    tpu.vector_store %arg2[%swap3A_16, %swap3A_17, %swap3A_18], %swap3A_21 {strides = array<i32>} : memref<25x1000x128xf32, #tpu.memory_space<vmem>>, vector<1x1000x128xf32>,
    %get3A_22 = arith.constant 0 : index
    %get3A_23 = arith.constant 256 : index
    %get3A_24 = vector.load %arg1[%get3A_22, %get3A_23] : memref<128x3200xbf16, #tpu.memory_space<vmem>>, vector<128x128xbf16>
    %dot_general3A_25 = arith.constant dense<0.000000e+00> : vector<1000x128xf32>
    %dot_general3A_26 = tpu.matmul %get3A_1, %get3A_24, %dot_general3A_25 {dimension_numbers = #tpu.dot_dimension_numbers<[1], [0], [0], [1], [0, 0, 1, 1], [], []>, transpose_lhs_hint = false} : vector<1000x128xbf16>, vector<128x128xbf16>, vector<1000x128xf32> -> vector<1000x128xf32>
    %swap3A_27 = arith.constant 2 : index
    %swap3A_28 = arith.constant 0 : index
    %swap3A_29 = arith.constant 0 : index
    %swap3A_30 = vector.load %arg2[%swap3A_27, %swap3A_28, %swap3A_29] : memref<25x1000x128xf32, #tpu.memory_space<vmem>>, vector<1x1000x128xf32>
    %swap3A_31 = vector.shape_cast %swap3A_30 : vector<1x1000x128xf32> to vector<1000x128xf32>
    %swap3A_32 = vector.shape_cast %dot_general3A_26 : vector<1000x128xf32> to vector<1x1000x128xf32>
    tpu.vector_store %arg2[%swap3A_27, %swap3A_28, %swap3A_29], %swap3A_32 {strides = array<i32>} : memref<25x1000x128xf32, #tpu.memory_space<vmem>>, vector<1x1000x128xf32>,
    %get3A_33 = arith.constant 0 : index
    %get3A_34 = arith.constant 384 : index
    %get3A_35 = vector.load %arg1[%get3A_33, %get3A_34] : memref<128x3200xbf16, #tpu.memory_space<vmem>>, vector<128x128xbf16>
    %dot_general3A_36 = arith.constant dense<0.000000e+00> : vector<1000x128xf32>
    %dot_general3A_37 = tpu.matmul %get3A_1, %get3A_35, %dot_general3A_36 {dimension_numbers = #tpu.dot_dimension_numbers<[1], [0], [0], [1], [0, 0, 1, 1], [], []>, transpose_lhs_hint = false} : vector<1000x128xbf16>, vector<128x128xbf16>, vector<1000x128xf32> -> vector<1000x128xf32>
    %swap3A_38 = arith.constant 3 : index
    %swap3A_39 = arith.constant 0 : index
    %swap3A_40 = arith.constant 0 : index
    %swap3A_41 = vector.load %arg2[%swap3A_38, %swap3A_39, %swap3A_40] : memref<25x1000x128xf32, #tpu.memory_space<vmem>>, vector<1x1000x128xf32>
    %swap3A_42 = vector.shape_cast %swap3A_41 : vector<1x1000x128xf32> to vector<1000x128xf32>
    %swap3A_43 = vector.shape_cast %dot_general3A_37 : vector<1000x128xf32> to vector<1x1000x128xf32>
    tpu.vector_store %arg2[%swap3A_38, %swap3A_39, %swap3A_40], %swap3A_43 {strides = array<i32>} : memref<25x1000x128xf32, #tpu.memory_space<vmem>>, vector<1x1000x128xf32>,
    %get3A_44 = arith.constant 0 : index
    %get3A_45 = arith.constant 512 : index
    %get3A_46 = vector.load %arg1[%get3A_44, %get3A_45] : memref<128x3200xbf16, #tpu.memory_space<vmem>>, vector<128x128xbf16>
    %dot_general3A_47 = arith.constant dense<0.000000e+00> : vector<1000x128xf32>
    %dot_general3A_48 = tpu.matmul %get3A_1, %get3A_46, %dot_general3A_47 {dimension_numbers = #tpu.dot_dimension_numbers<[1], [0], [0], [1], [0, 0, 1, 1], [], []>, transpose_lhs_hint = false} : vector<1000x128xbf16>, vector<128x128xbf16>, vector<1000x128xf32> -> vector<1000x128xf32>
    %swap3A_49 = arith.constant 4 : index
    %swap3A_50 = arith.constant 0 : index
    %swap3A_51 = arith.constant 0 : index
    %swap3A_52 = vector.load %arg2[%swap3A_49, %swap3A_50, %swap3A_51] : memref<25x1000x128xf32, #tpu.memory_space<vmem>>, vector<1x1000x128xf32>
    %swap3A_53 = vector.shape_cast %swap3A_52 : vector<1x1000x128xf32> to vector<1000x128xf32>
    %swap3A_54 = vector.shape_cast %dot_general3A_48 : vector<1000x128xf32> to vector<1x1000x128xf32>
    tpu.vector_store %arg2[%swap3A_49, %swap3A_50, %swap3A_51], %swap3A_54 {strides = array<i32>} : memref<25x1000x128xf32, #tpu.memory_space<vmem>>, vector<1x1000x128xf32>,
    %get3A_55 = arith.constant 0 : index
    %get3A_56 = arith.constant 640 : index
    %get3A_57 = vector.load %arg1[%get3A_55, %get3A_56] : memref<128x3200xbf16, #tpu.memory_space<vmem>>, vector<128x128xbf16>
    %dot_general3A_58 = arith.constant dense<0.000000e+00> : vector<1000x128xf32>
    %dot_general3A_59 = tpu.matmul %get3A_1, %get3A_57, %dot_general3A_58 {dimension_numbers = #tpu.dot_dimension_numbers<[1], [0], [0], [1], [0, 0, 1, 1], [], []>, transpose_lhs_hint = false} : vector<1000x128xbf16>, vector<128x128xbf16>, vector<1000x128xf32> -> vector<1000x128xf32>
    %swap3A_60 = arith.constant 5 : index
    %swap3A_61 = arith.constant 0 : index
    %swap3A_62 = arith.constant 0 : index
    %swap3A_63 = vector.load %arg2[%swap3A_60, %swap3A_61, %swap3A_62] : memref<25x1000x128xf32, #tpu.memory_space<vmem>>, vector<1x1000x128xf32>
    %swap3A_64 = vector.shape_cast %swap3A_63 : vector<1x1000x128xf32> to vector<1000x128xf32>
    %swap3A_65 = vector.shape_cast %dot_general3A_59 : vector<1000x128xf32> to vector<1x1000x128xf32>
    tpu.vector_store %arg2[%swap3A_60, %swap3A_61, %swap3A_62], %swap3A_65 {strides = array<i32>} : memref<25x1000x128xf32, #tpu.memory_space<vmem>>, vector<1x1000x128xf32>,
    %get3A_66 = arith.constant 0 : index
    %get3A_67 = arith.constant 768 : index
    %get3A_68 = vector.load %arg1[%get3A_66, %get3A_67] : memref<128x3200xbf16, #tpu.memory_space<vmem>>, vector<128x128xbf16>
    %dot_general3A_69 = arith.constant dense<0.000000e+00> : vector<1000x128xf32>
    %dot_general3A_70 = tpu.matmul %get3A_1, %get3A_68, %dot_general3A_69 {dimension_numbers = #tpu.dot_dimension_numbers<[1], [0], [0], [1], [0, 0, 1, 1], [], []>, transpose_lhs_hint = false} : vector<1000x128xbf16>, vector<128x128xbf16>, vector<1000x128xf32> -> vector<1000x128xf32>
    %swap3A_71 = arith.constant 6 : index
    %swap3A_72 = arith.constant 0 : index
    %swap3A_73 = arith.constant 0 : index
    %swap3A_74 = vector.load %arg2[%swap3A_71, %swap3A_72, %swap3A_73] : memref<25x1000x128xf32, #tpu.memory_space<vmem>>, vector<1x1000x128xf32>
    %swap3A_75 = vector.shape_cast %swap3A_74 : vector<1x1000x128xf32> to vector<1000x128xf32>
    %swap3A_76 = vector.shape_cast %dot_general3A_70 : vector<1000x128xf32> to vector<1x1000x128xf32>
    tpu.vector_store %arg2[%swap3A_71, %swap3A_72, %swap3A_73], %swap3A_76 {strides = array<i32>} : memref<25x1000x128xf32, #tpu.memory_space<vmem>>, vector<1x1000x128xf32>,
    %get3A_77 = arith.constant 0 : index
    %get3A_78 = arith.constant 896 : index
    %get3A_79 = vector.load %arg1[%get3A_77, %get3A_78] : memref<128x3200xbf16, #tpu.memory_space<vmem>>, vector<128x128xbf16>
    %dot_general3A_80 = arith.constant dense<0.000000e+00> : vector<1000x128xf32>
    %dot_general3A_81 = tpu.matmul %get3A_1, %get3A_79, %dot_general3A_80 {dimension_numbers = #tpu.dot_dimension_numbers<[1], [0], [0], [1], [0, 0, 1, 1], [], []>, transpose_lhs_hint = false} : vector<1000x128xbf16>, vector<128x128xbf16>, vector<1000x128xf32> -> vector<1000x128xf32>
    %swap3A_82 = arith.constant 7 : index
    %swap3A_83 = arith.constant 0 : index
    %swap3A_84 = arith.constant 0 : index
    %swap3A_85 = vector.load %arg2[%swap3A_82, %swap3A_83, %swap3A_84] : memref<25x1000x128xf32, #tpu.memory_space<vmem>>, vector<1x1000x128xf32>
    %swap3A_86 = vector.shape_cast %swap3A_85 : vector<1x1000x128xf32> to vector<1000x128xf32>
    %swap3A_87 = vector.shape_cast %dot_general3A_81 : vector<1000x128xf32> to vector<1x1000x128xf32>
    tpu.vector_store %arg2[%swap3A_82, %swap3A_83, %swap3A_84], %swap3A_87 {strides = array<i32>} : memref<25x1000x128xf32, #tpu.memory_space<vmem>>, vector<1x1000x128xf32>,
    %get3A_88 = arith.constant 0 : index
    %get3A_89 = arith.constant 1024 : index
    %get3A_90 = vector.load %arg1[%get3A_88, %get3A_89] : memref<128x3200xbf16, #tpu.memory_space<vmem>>, vector<128x128xbf16>
    %dot_general3A_91 = arith.constant dense<0.000000e+00> : vector<1000x128xf32>
    %dot_general3A_92 = tpu.matmul %get3A_1, %get3A_90, %dot_general3A_91 {dimension_numbers = #tpu.dot_dimension_numbers<[1], [0], [0], [1], [0, 0, 1, 1], [], []>, transpose_lhs_hint = false} : vector<1000x128xbf16>, vector<128x128xbf16>, vector<1000x128xf32> -> vector<1000x128xf32>
    %swap3A_93 = arith.constant 8 : index
    %swap3A_94 = arith.constant 0 : index
    %swap3A_95 = arith.constant 0 : index
    %swap3A_96 = vector.load %arg2[%swap3A_93, %swap3A_94, %swap3A_95] : memref<25x1000x128xf32, #tpu.memory_space<vmem>>, vector<1x1000x128xf32>
    %swap3A_97 = vector.shape_cast %swap3A_96 : vector<1x1000x128xf32> to vector<1000x128xf32>
    %swap3A_98 = vector.shape_cast %dot_general3A_92 : vector<1000x128xf32> to vector<1x1000x128xf32>
    tpu.vector_store %arg2[%swap3A_93, %swap3A_94, %swap3A_95], %swap3A_98 {strides = array<i32>} : memref<25x1000x128xf32, #tpu.memory_space<vmem>>, vector<1x1000x128xf32>,
    %get3A_99 = arith.constant 0 : index
    %get3A_100 = arith.constant 1152 : index
    %get3A_101 = vector.load %arg1[%get3A_99, %get3A_100] : memref<128x3200xbf16, #tpu.memory_space<vmem>>, vector<128x128xbf16>
    %dot_general3A_102 = arith.constant dense<0.000000e+00> : vector<1000x128xf32>
    %dot_general3A_103 = tpu.matmul %get3A_1, %get3A_101, %dot_general3A_102 {dimension_numbers = #tpu.dot_dimension_numbers<[1], [0], [0], [1], [0, 0, 1, 1], [], []>, transpose_lhs_hint = false} : vector<1000x128xbf16>, vector<128x128xbf16>, vector<1000x128xf32> -> vector<1000x128xf32>
    %swap3A_104 = arith.constant 9 : index
    %swap3A_105 = arith.constant 0 : index
    %swap3A_106 = arith.constant 0 : index
    %swap3A_107 = vector.load %arg2[%swap3A_104, %swap3A_105, %swap3A_106] : memref<25x1000x128xf32, #tpu.memory_space<vmem>>, vector<1x1000x128xf32>
    %swap3A_108 = vector.shape_cast %swap3A_107 : vector<1x1000x128xf32> to vector<1000x128xf32>
    %swap3A_109 = vector.shape_cast %dot_general3A_103 : vector<1000x128xf32> to vector<1x1000x128xf32>
    tpu.vector_store %arg2[%swap3A_104, %swap3A_105, %swap3A_106], %swap3A_109 {strides = array<i32>} : memref<25x1000x128xf32, #tpu.memory_space<vmem>>, vector<1x1000x128xf32>,
    %get3A_110 = arith.constant 0 : index
    %get3A_111 = arith.constant 1280 : index
    %get3A_112 = vector.load %arg1[%get3A_110, %get3A_111] : memref<128x3200xbf16, #tpu.memory_space<vmem>>, vector<128x128xbf16>
    %dot_general3A_113 = arith.constant dense<0.000000e+00> : vector<1000x128xf32>
    %dot_general3A_114 = tpu.matmul %get3A_1, %get3A_112, %dot_general3A_113 {dimension_numbers = #tpu.dot_dimension_numbers<[1], [0], [0], [1], [0, 0, 1, 1], [], []>, transpose_lhs_hint = false} : vector<1000x128xbf16>, vector<128x128xbf16>, vector<1000x128xf32> -> vector<1000x128xf32>
    %swap3A_115 = arith.constant 10 : index
    %swap3A_116 = arith.constant 0 : index
    %swap3A_117 = arith.constant 0 : index
    %swap3A_118 = vector.load %arg2[%swap3A_115, %swap3A_116, %swap3A_117] : memref<25x1000x128xf32, #tpu.memory_space<vmem>>, vector<1x1000x128xf32>
    %swap3A_119 = vector.shape_cast %swap3A_118 : vector<1x1000x128xf32> to vector<1000x128xf32>
    %swap3A_120 = vector.shape_cast %dot_general3A_114 : vector<1000x128xf32> to vector<1x1000x128xf32>
    tpu.vector_store %arg2[%swap3A_115, %swap3A_116, %swap3A_117], %swap3A_120 {strides = array<i32>} : memref<25x1000x128xf32, #tpu.memory_space<vmem>>, vector<1x1000x128xf32>,
    %get3A_121 = arith.constant 0 : index
    %get3A_122 = arith.constant 1408 : index
    %get3A_123 = vector.load %arg1[%get3A_121, %get3A_122] : memref<128x3200xbf16, #tpu.memory_space<vmem>>, vector<128x128xbf16>
    %dot_general3A_124 = arith.constant dense<0.000000e+00> : vector<1000x128xf32>
    %dot_general3A_125 = tpu.matmul %get3A_1, %get3A_123, %dot_general3A_124 {dimension_numbers = #tpu.dot_dimension_numbers<[1], [0], [0], [1], [0, 0, 1, 1], [], []>, transpose_lhs_hint = false} : vector<1000x128xbf16>, vector<128x128xbf16>, vector<1000x128xf32> -> vector<1000x128xf32>
    %swap3A_126 = arith.constant 11 : index
    %swap3A_127 = arith.constant 0 : index
    %swap3A_128 = arith.constant 0 : index
    %swap3A_129 = vector.load %arg2[%swap3A_126, %swap3A_127, %swap3A_128] : memref<25x1000x128xf32, #tpu.memory_space<vmem>>, vector<1x1000x128xf32>
    %swap3A_130 = vector.shape_cast %swap3A_129 : vector<1x1000x128xf32> to vector<1000x128xf32>
    %swap3A_131 = vector.shape_cast %dot_general3A_125 : vector<1000x128xf32> to vector<1x1000x128xf32>
    tpu.vector_store %arg2[%swap3A_126, %swap3A_127, %swap3A_128], %swap3A_131 {strides = array<i32>} : memref<25x1000x128xf32, #tpu.memory_space<vmem>>, vector<1x1000x128xf32>,
    %get3A_132 = arith.constant 0 : index
    %get3A_133 = arith.constant 1536 : index
    %get3A_134 = vector.load %arg1[%get3A_132, %get3A_133] : memref<128x3200xbf16, #tpu.memory_space<vmem>>, vector<128x128xbf16>
    %dot_general3A_135 = arith.constant dense<0.000000e+00> : vector<1000x128xf32>
    %dot_general3A_136 = tpu.matmul %get3A_1, %get3A_134, %dot_general3A_135 {dimension_numbers = #tpu.dot_dimension_numbers<[1], [0], [0], [1], [0, 0, 1, 1], [], []>, transpose_lhs_hint = false} : vector<1000x128xbf16>, vector<128x128xbf16>, vector<1000x128xf32> -> vector<1000x128xf32>
    %swap3A_137 = arith.constant 12 : index
    %swap3A_138 = arith.constant 0 : index
    %swap3A_139 = arith.constant 0 : index
    %swap3A_140 = vector.load %arg2[%swap3A_137, %swap3A_138, %swap3A_139] : memref<25x1000x128xf32, #tpu.memory_space<vmem>>, vector<1x1000x128xf32>
    %swap3A_141 = vector.shape_cast %swap3A_140 : vector<1x1000x128xf32> to vector<1000x128xf32>
    %swap3A_142 = vector.shape_cast %dot_general3A_136 : vector<1000x128xf32> to vector<1x1000x128xf32>
    tpu.vector_store %arg2[%swap3A_137, %swap3A_138, %swap3A_139], %swap3A_142 {strides = array<i32>} : memref<25x1000x128xf32, #tpu.memory_space<vmem>>, vector<1x1000x128xf32>,
    %get3A_143 = arith.constant 0 : index
    %get3A_144 = arith.constant 1664 : index
    %get3A_145 = vector.load %arg1[%get3A_143, %get3A_144] : memref<128x3200xbf16, #tpu.memory_space<vmem>>, vector<128x128xbf16>
    %dot_general3A_146 = arith.constant dense<0.000000e+00> : vector<1000x128xf32>
    %dot_general3A_147 = tpu.matmul %get3A_1, %get3A_145, %dot_general3A_146 {dimension_numbers = #tpu.dot_dimension_numbers<[1], [0], [0], [1], [0, 0, 1, 1], [], []>, transpose_lhs_hint = false} : vector<1000x128xbf16>, vector<128x128xbf16>, vector<1000x128xf32> -> vector<1000x128xf32>
    %swap3A_148 = arith.constant 13 : index
    %swap3A_149 = arith.constant 0 : index
    %swap3A_150 = arith.constant 0 : index
    %swap3A_151 = vector.load %arg2[%swap3A_148, %swap3A_149, %swap3A_150] : memref<25x1000x128xf32, #tpu.memory_space<vmem>>, vector<1x1000x128xf32>
    %swap3A_152 = vector.shape_cast %swap3A_151 : vector<1x1000x128xf32> to vector<1000x128xf32>
    %swap3A_153 = vector.shape_cast %dot_general3A_147 : vector<1000x128xf32> to vector<1x1000x128xf32>
    tpu.vector_store %arg2[%swap3A_148, %swap3A_149, %swap3A_150], %swap3A_153 {strides = array<i32>} : memref<25x1000x128xf32, #tpu.memory_space<vmem>>, vector<1x1000x128xf32>,
    %get3A_154 = arith.constant 0 : index
    %get3A_155 = arith.constant 1792 : index
    %get3A_156 = vector.load %arg1[%get3A_154, %get3A_155] : memref<128x3200xbf16, #tpu.memory_space<vmem>>, vector<128x128xbf16>
    %dot_general3A_157 = arith.constant dense<0.000000e+00> : vector<1000x128xf32>
    %dot_general3A_158 = tpu.matmul %get3A_1, %get3A_156, %dot_general3A_157 {dimension_numbers = #tpu.dot_dimension_numbers<[1], [0], [0], [1], [0, 0, 1, 1], [], []>, transpose_lhs_hint = false} : vector<1000x128xbf16>, vector<128x128xbf16>, vector<1000x128xf32> -> vector<1000x128xf32>
    %swap3A_159 = arith.constant 14 : index
    %swap3A_160 = arith.constant 0 : index
    %swap3A_161 = arith.constant 0 : index
    %swap3A_162 = vector.load %arg2[%swap3A_159, %swap3A_160, %swap3A_161] : memref<25x1000x128xf32, #tpu.memory_space<vmem>>, vector<1x1000x128xf32>
    %swap3A_163 = vector.shape_cast %swap3A_162 : vector<1x1000x128xf32> to vector<1000x128xf32>
    %swap3A_164 = vector.shape_cast %dot_general3A_158 : vector<1000x128xf32> to vector<1x1000x128xf32>
    tpu.vector_store %arg2[%swap3A_159, %swap3A_160, %swap3A_161], %swap3A_164 {strides = array<i32>} : memref<25x1000x128xf32, #tpu.memory_space<vmem>>, vector<1x1000x128xf32>,
    %get3A_165 = arith.constant 0 : index
    %get3A_166 = arith.constant 1920 : index
    %get3A_167 = vector.load %arg1[%get3A_165, %get3A_166] : memref<128x3200xbf16, #tpu.memory_space<vmem>>, vector<128x128xbf16>
    %dot_general3A_168 = arith.constant dense<0.000000e+00> : vector<1000x128xf32>
    %dot_general3A_169 = tpu.matmul %get3A_1, %get3A_167, %dot_general3A_168 {dimension_numbers = #tpu.dot_dimension_numbers<[1], [0], [0], [1], [0, 0, 1, 1], [], []>, transpose_lhs_hint = false} : vector<1000x128xbf16>, vector<128x128xbf16>, vector<1000x128xf32> -> vector<1000x128xf32>
    %swap3A_170 = arith.constant 15 : index
    %swap3A_171 = arith.constant 0 : index
    %swap3A_172 = arith.constant 0 : index
    %swap3A_173 = vector.load %arg2[%swap3A_170, %swap3A_171, %swap3A_172] : memref<25x1000x128xf32, #tpu.memory_space<vmem>>, vector<1x1000x128xf32>
    %swap3A_174 = vector.shape_cast %swap3A_173 : vector<1x1000x128xf32> to vector<1000x128xf32>
    %swap3A_175 = vector.shape_cast %dot_general3A_169 : vector<1000x128xf32> to vector<1x1000x128xf32>
    tpu.vector_store %arg2[%swap3A_170, %swap3A_171, %swap3A_172], %swap3A_175 {strides = array<i32>} : memref<25x1000x128xf32, #tpu.memory_space<vmem>>, vector<1x1000x128xf32>,
    %get3A_176 = arith.constant 0 : index
    %get3A_177 = arith.constant 2048 : index
    %get3A_178 = vector.load %arg1[%get3A_176, %get3A_177] : memref<128x3200xbf16, #tpu.memory_space<vmem>>, vector<128x128xbf16>
    %dot_general3A_179 = arith.constant dense<0.000000e+00> : vector<1000x128xf32>
    %dot_general3A_180 = tpu.matmul %get3A_1, %get3A_178, %dot_general3A_179 {dimension_numbers = #tpu.dot_dimension_numbers<[1], [0], [0], [1], [0, 0, 1, 1], [], []>, transpose_lhs_hint = false} : vector<1000x128xbf16>, vector<128x128xbf16>, vector<1000x128xf32> -> vector<1000x128xf32>
    %swap3A_181 = arith.constant 16 : index
    %swap3A_182 = arith.constant 0 : index
    %swap3A_183 = arith.constant 0 : index
    %swap3A_184 = vector.load %arg2[%swap3A_181, %swap3A_182, %swap3A_183] : memref<25x1000x128xf32, #tpu.memory_space<vmem>>, vector<1x1000x128xf32>
    %swap3A_185 = vector.shape_cast %swap3A_184 : vector<1x1000x128xf32> to vector<1000x128xf32>
    %swap3A_186 = vector.shape_cast %dot_general3A_180 : vector<1000x128xf32> to vector<1x1000x128xf32>
    tpu.vector_store %arg2[%swap3A_181, %swap3A_182, %swap3A_183], %swap3A_186 {strides = array<i32>} : memref<25x1000x128xf32, #tpu.memory_space<vmem>>, vector<1x1000x128xf32>,
    %get3A_187 = arith.constant 0 : index
    %get3A_188 = arith.constant 2176 : index
    %get3A_189 = vector.load %arg1[%get3A_187, %get3A_188] : memref<128x3200xbf16, #tpu.memory_space<vmem>>, vector<128x128xbf16>
    %dot_general3A_190 = arith.constant dense<0.000000e+00> : vector<1000x128xf32>
    %dot_general3A_191 = tpu.matmul %get3A_1, %get3A_189, %dot_general3A_190 {dimension_numbers = #tpu.dot_dimension_numbers<[1], [0], [0], [1], [0, 0, 1, 1], [], []>, transpose_lhs_hint = false} : vector<1000x128xbf16>, vector<128x128xbf16>, vector<1000x128xf32> -> vector<1000x128xf32>
    %swap3A_192 = arith.constant 17 : index
    %swap3A_193 = arith.constant 0 : index
    %swap3A_194 = arith.constant 0 : index
    %swap3A_195 = vector.load %arg2[%swap3A_192, %swap3A_193, %swap3A_194] : memref<25x1000x128xf32, #tpu.memory_space<vmem>>, vector<1x1000x128xf32>
    %swap3A_196 = vector.shape_cast %swap3A_195 : vector<1x1000x128xf32> to vector<1000x128xf32>
    %swap3A_197 = vector.shape_cast %dot_general3A_191 : vector<1000x128xf32> to vector<1x1000x128xf32>
    tpu.vector_store %arg2[%swap3A_192, %swap3A_193, %swap3A_194], %swap3A_197 {strides = array<i32>} : memref<25x1000x128xf32, #tpu.memory_space<vmem>>, vector<1x1000x128xf32>,
    %get3A_198 = arith.constant 0 : index
    %get3A_199 = arith.constant 2304 : index
    %get3A_200 = vector.load %arg1[%get3A_198, %get3A_199] : memref<128x3200xbf16, #tpu.memory_space<vmem>>, vector<128x128xbf16>
    %dot_general3A_201 = arith.constant dense<0.000000e+00> : vector<1000x128xf32>
    %dot_general3A_202 = tpu.matmul %get3A_1, %get3A_200, %dot_general3A_201 {dimension_numbers = #tpu.dot_dimension_numbers<[1], [0], [0], [1], [0, 0, 1, 1], [], []>, transpose_lhs_hint = false} : vector<1000x128xbf16>, vector<128x128xbf16>, vector<1000x128xf32> -> vector<1000x128xf32>
    %swap3A_203 = arith.constant 18 : index
    %swap3A_204 = arith.constant 0 : index
    %swap3A_205 = arith.constant 0 : index
    %swap3A_206 = vector.load %arg2[%swap3A_203, %swap3A_204, %swap3A_205] : memref<25x1000x128xf32, #tpu.memory_space<vmem>>, vector<1x1000x128xf32>
    %swap3A_207 = vector.shape_cast %swap3A_206 : vector<1x1000x128xf32> to vector<1000x128xf32>
    %swap3A_208 = vector.shape_cast %dot_general3A_202 : vector<1000x128xf32> to vector<1x1000x128xf32>
    tpu.vector_store %arg2[%swap3A_203, %swap3A_204, %swap3A_205], %swap3A_208 {strides = array<i32>} : memref<25x1000x128xf32, #tpu.memory_space<vmem>>, vector<1x1000x128xf32>,
    %get3A_209 = arith.constant 0 : index
    %get3A_210 = arith.constant 2432 : index
    %get3A_211 = vector.load %arg1[%get3A_209, %get3A_210] : memref<128x3200xbf16, #tpu.memory_space<vmem>>, vector<128x128xbf16>
    %dot_general3A_212 = arith.constant dense<0.000000e+00> : vector<1000x128xf32>
    %dot_general3A_213 = tpu.matmul %get3A_1, %get3A_211, %dot_general3A_212 {dimension_numbers = #tpu.dot_dimension_numbers<[1], [0], [0], [1], [0, 0, 1, 1], [], []>, transpose_lhs_hint = false} : vector<1000x128xbf16>, vector<128x128xbf16>, vector<1000x128xf32> -> vector<1000x128xf32>
    %swap3A_214 = arith.constant 19 : index
    %swap3A_215 = arith.constant 0 : index
    %swap3A_216 = arith.constant 0 : index
    %swap3A_217 = vector.load %arg2[%swap3A_214, %swap3A_215, %swap3A_216] : memref<25x1000x128xf32, #tpu.memory_space<vmem>>, vector<1x1000x128xf32>
    %swap3A_218 = vector.shape_cast %swap3A_217 : vector<1x1000x128xf32> to vector<1000x128xf32>
    %swap3A_219 = vector.shape_cast %dot_general3A_213 : vector<1000x128xf32> to vector<1x1000x128xf32>
    tpu.vector_store %arg2[%swap3A_214, %swap3A_215, %swap3A_216], %swap3A_219 {strides = array<i32>} : memref<25x1000x128xf32, #tpu.memory_space<vmem>>, vector<1x1000x128xf32>,
    %get3A_220 = arith.constant 0 : index
    %get3A_221 = arith.constant 2560 : index
    %get3A_222 = vector.load %arg1[%get3A_220, %get3A_221] : memref<128x3200xbf16, #tpu.memory_space<vmem>>, vector<128x128xbf16>
    %dot_general3A_223 = arith.constant dense<0.000000e+00> : vector<1000x128xf32>
    %dot_general3A_224 = tpu.matmul %get3A_1, %get3A_222, %dot_general3A_223 {dimension_numbers = #tpu.dot_dimension_numbers<[1], [0], [0], [1], [0, 0, 1, 1], [], []>, transpose_lhs_hint = false} : vector<1000x128xbf16>, vector<128x128xbf16>, vector<1000x128xf32> -> vector<1000x128xf32>
    %swap3A_225 = arith.constant 20 : index
    %swap3A_226 = arith.constant 0 : index
    %swap3A_227 = arith.constant 0 : index
    %swap3A_228 = vector.load %arg2[%swap3A_225, %swap3A_226, %swap3A_227] : memref<25x1000x128xf32, #tpu.memory_space<vmem>>, vector<1x1000x128xf32>
    %swap3A_229 = vector.shape_cast %swap3A_228 : vector<1x1000x128xf32> to vector<1000x128xf32>
    %swap3A_230 = vector.shape_cast %dot_general3A_224 : vector<1000x128xf32> to vector<1x1000x128xf32>
    tpu.vector_store %arg2[%swap3A_225, %swap3A_226, %swap3A_227], %swap3A_230 {strides = array<i32>} : memref<25x1000x128xf32, #tpu.memory_space<vmem>>, vector<1x1000x128xf32>,
    %get3A_231 = arith.constant 0 : index
    %get3A_232 = arith.constant 2688 : index
    %get3A_233 = vector.load %arg1[%get3A_231, %get3A_232] : memref<128x3200xbf16, #tpu.memory_space<vmem>>, vector<128x128xbf16>
    %dot_general3A_234 = arith.constant dense<0.000000e+00> : vector<1000x128xf32>
    %dot_general3A_235 = tpu.matmul %get3A_1, %get3A_233, %dot_general3A_234 {dimension_numbers = #tpu.dot_dimension_numbers<[1], [0], [0], [1], [0, 0, 1, 1], [], []>, transpose_lhs_hint = false} : vector<1000x128xbf16>, vector<128x128xbf16>, vector<1000x128xf32> -> vector<1000x128xf32>
    %swap3A_236 = arith.constant 21 : index
    %swap3A_237 = arith.constant 0 : index
    %swap3A_238 = arith.constant 0 : index
    %swap3A_239 = vector.load %arg2[%swap3A_236, %swap3A_237, %swap3A_238] : memref<25x1000x128xf32, #tpu.memory_space<vmem>>, vector<1x1000x128xf32>
    %swap3A_240 = vector.shape_cast %swap3A_239 : vector<1x1000x128xf32> to vector<1000x128xf32>
    %swap3A_241 = vector.shape_cast %dot_general3A_235 : vector<1000x128xf32> to vector<1x1000x128xf32>
    tpu.vector_store %arg2[%swap3A_236, %swap3A_237, %swap3A_238], %swap3A_241 {strides = array<i32>} : memref<25x1000x128xf32, #tpu.memory_space<vmem>>, vector<1x1000x128xf32>,
    %get3A_242 = arith.constant 0 : index
    %get3A_243 = arith.constant 2816 : index
    %get3A_244 = vector.load %arg1[%get3A_242, %get3A_243] : memref<128x3200xbf16, #tpu.memory_space<vmem>>, vector<128x128xbf16>
    %dot_general3A_245 = arith.constant dense<0.000000e+00> : vector<1000x128xf32>
    %dot_general3A_246 = tpu.matmul %get3A_1, %get3A_244, %dot_general3A_245 {dimension_numbers = #tpu.dot_dimension_numbers<[1], [0], [0], [1], [0, 0, 1, 1], [], []>, transpose_lhs_hint = false} : vector<1000x128xbf16>, vector<128x128xbf16>, vector<1000x128xf32> -> vector<1000x128xf32>
    %swap3A_247 = arith.constant 22 : index
    %swap3A_248 = arith.constant 0 : index
    %swap3A_249 = arith.constant 0 : index
    %swap3A_250 = vector.load %arg2[%swap3A_247, %swap3A_248, %swap3A_249] : memref<25x1000x128xf32, #tpu.memory_space<vmem>>, vector<1x1000x128xf32>
    %swap3A_251 = vector.shape_cast %swap3A_250 : vector<1x1000x128xf32> to vector<1000x128xf32>
    %swap3A_252 = vector.shape_cast %dot_general3A_246 : vector<1000x128xf32> to vector<1x1000x128xf32>
    tpu.vector_store %arg2[%swap3A_247, %swap3A_248, %swap3A_249], %swap3A_252 {strides = array<i32>} : memref<25x1000x128xf32, #tpu.memory_space<vmem>>, vector<1x1000x128xf32>,
    %get3A_253 = arith.constant 0 : index
    %get3A_254 = arith.constant 2944 : index
    %get3A_255 = vector.load %arg1[%get3A_253, %get3A_254] : memref<128x3200xbf16, #tpu.memory_space<vmem>>, vector<128x128xbf16>
    %dot_general3A_256 = arith.constant dense<0.000000e+00> : vector<1000x128xf32>
    %dot_general3A_257 = tpu.matmul %get3A_1, %get3A_255, %dot_general3A_256 {dimension_numbers = #tpu.dot_dimension_numbers<[1], [0], [0], [1], [0, 0, 1, 1], [], []>, transpose_lhs_hint = false} : vector<1000x128xbf16>, vector<128x128xbf16>, vector<1000x128xf32> -> vector<1000x128xf32>
    %swap3A_258 = arith.constant 23 : index
    %swap3A_259 = arith.constant 0 : index
    %swap3A_260 = arith.constant 0 : index
    %swap3A_261 = vector.load %arg2[%swap3A_258, %swap3A_259, %swap3A_260] : memref<25x1000x128xf32, #tpu.memory_space<vmem>>, vector<1x1000x128xf32>
    %swap3A_262 = vector.shape_cast %swap3A_261 : vector<1x1000x128xf32> to vector<1000x128xf32>
    %swap3A_263 = vector.shape_cast %dot_general3A_257 : vector<1000x128xf32> to vector<1x1000x128xf32>
    tpu.vector_store %arg2[%swap3A_258, %swap3A_259, %swap3A_260], %swap3A_263 {strides = array<i32>} : memref<25x1000x128xf32, #tpu.memory_space<vmem>>, vector<1x1000x128xf32>,
    %get3A_264 = arith.constant 0 : index
    %get3A_265 = arith.constant 3072 : index
    %get3A_266 = vector.load %arg1[%get3A_264, %get3A_265] : memref<128x3200xbf16, #tpu.memory_space<vmem>>, vector<128x128xbf16>
    %dot_general3A_267 = arith.constant dense<0.000000e+00> : vector<1000x128xf32>
    %dot_general3A_268 = tpu.matmul %get3A_1, %get3A_266, %dot_general3A_267 {dimension_numbers = #tpu.dot_dimension_numbers<[1], [0], [0], [1], [0, 0, 1, 1], [], []>, transpose_lhs_hint = false} : vector<1000x128xbf16>, vector<128x128xbf16>, vector<1000x128xf32> -> vector<1000x128xf32>
    %swap3A_269 = arith.constant 24 : index
    %swap3A_270 = arith.constant 0 : index
    %swap3A_271 = arith.constant 0 : index
    %swap3A_272 = vector.load %arg2[%swap3A_269, %swap3A_270, %swap3A_271] : memref<25x1000x128xf32, #tpu.memory_space<vmem>>, vector<1x1000x128xf32>
    %swap3A_273 = vector.shape_cast %swap3A_272 : vector<1x1000x128xf32> to vector<1000x128xf32>
    %swap3A_274 = vector.shape_cast %dot_general3A_268 : vector<1000x128xf32> to vector<1x1000x128xf32>
    tpu.vector_store %arg2[%swap3A_269, %swap3A_270, %swap3A_271], %swap3A_274 {strides = array<i32>} : memref<25x1000x128xf32, #tpu.memory_space<vmem>>, vector<1x1000x128xf32>,
    return
  }
}

module attributes {stable_mosaic.version = 14 : i64} {
  func.func @_tail_body(%arg0: i32, %arg1: memref<8x1024x16xf32, #tpu.memory_space<vmem>>, %arg2: memref<16xf32, #tpu.memory_space<vmem>>, %arg3: memref<16xf32, #tpu.memory_space<vmem>>, %arg4: memref<16xf32, #tpu.memory_space<vmem>>, %arg5: memref<32x16xf32, #tpu.memory_space<vmem>>, %arg6: memref<32xf32, #tpu.memory_space<vmem>>, %arg7: memref<32xf32, #tpu.memory_space<vmem>>, %arg8: memref<32xf32, #tpu.memory_space<vmem>>, %arg9: memref<1000x32xf32, #tpu.memory_space<vmem>>, %arg10: memref<1000xf32, #tpu.memory_space<vmem>>, %arg11: memref<1000x1024xf32, #tpu.memory_space<vmem>>) attributes {dimension_semantics = [#tpu.dimension_semantics<arbitrary>], iteration_bounds = array<i64: 4>, scalar_prefetch = 0 : i64, scratch_operands = 0 : i64, tpu.core_type = #tpu.core_type<tc>, window_params = [{transform_indices = @transform_0, window_bounds = array<i64: 8, 1024, 16>}, {pipeline_mode = #tpu.pipeline_mode<synchronous>, transform_indices = @transform_1, window_bounds = array<i64: 16>}, {pipeline_mode = #tpu.pipeline_mode<synchronous>, transform_indices = @transform_2, window_bounds = array<i64: 16>}, {pipeline_mode = #tpu.pipeline_mode<synchronous>, transform_indices = @transform_3, window_bounds = array<i64: 16>}, {pipeline_mode = #tpu.pipeline_mode<synchronous>, transform_indices = @transform_4, window_bounds = array<i64: 32, 16>}, {pipeline_mode = #tpu.pipeline_mode<synchronous>, transform_indices = @transform_5, window_bounds = array<i64: 32>}, {pipeline_mode = #tpu.pipeline_mode<synchronous>, transform_indices = @transform_6, window_bounds = array<i64: 32>}, {pipeline_mode = #tpu.pipeline_mode<synchronous>, transform_indices = @transform_7, window_bounds = array<i64: 32>}, {pipeline_mode = #tpu.pipeline_mode<synchronous>, transform_indices = @transform_8, window_bounds = array<i64: 1000, 32>}, {pipeline_mode = #tpu.pipeline_mode<synchronous>, transform_indices = @transform_9, window_bounds = array<i64: 1000>}, {transform_indices = @transform_10, window_bounds = array<i64: 1000, 1024>}]} {
    %get3A = arith.constant 0 : index
    %get3A_0 = arith.constant 0 : index
    %get3A_1 = arith.constant 0 : index
    %get3A_2 = vector.load %arg1[%get3A, %get3A_0, %get3A_1] : memref<8x1024x16xf32, #tpu.memory_space<vmem>>, vector<8x1024x16xf32>
    %reduce_sum3A = arith.constant dense<0.000000e+00> : vector<1024x16xf32>
    %reduce_sum3A_3 = vector.multi_reduction <add>, %get3A_2, %reduce_sum3A [0] : vector<8x1024x16xf32> to vector<1024x16xf32>
    %get3A_4 = arith.constant 0 : index
    %get3A_5 = vector.load %arg2[%get3A_4] : memref<16xf32, #tpu.memory_space<vmem>>, vector<16xf32>
    %broadcast_in_dim3A = vector.shape_cast %get3A_5 : vector<16xf32> to vector<1x16xf32>
    %add3A = vector.broadcast %broadcast_in_dim3A : vector<1x16xf32> to vector<1024x16xf32>
    %add3A_6 = arith.addf %reduce_sum3A_3, %add3A : vector<1024x16xf32>
    %reduce_sum3A_7 = arith.constant dense<0.000000e+00> : vector<1024xf32>
    %reduce_sum3A_8 = vector.multi_reduction <add>, %add3A_6, %reduce_sum3A_7 [1] : vector<1024x16xf32> to vector<1024xf32>
    %broadcast_in_dim3A_9 = vector.shape_cast %reduce_sum3A_8 : vector<1024xf32> to vector<1024x1xf32>
    %div3A = arith.constant 1.600000e+01 : f32
    %div3A_10 = vector.broadcast %div3A : f32 to vector<1024x1xf32>
    %div3A_11 = arith.divf %broadcast_in_dim3A_9, %div3A_10 : vector<1024x1xf32>
    %sub3A = vector.broadcast %div3A_11 : vector<1024x1xf32> to vector<1024x16xf32>
    %sub3A_12 = arith.subf %add3A_6, %sub3A : vector<1024x16xf32>
    %sub3A_13 = vector.broadcast %div3A_11 : vector<1024x1xf32> to vector<1024x16xf32>
    %sub3A_14 = arith.subf %add3A_6, %sub3A_13 : vector<1024x16xf32>
    %mul3A = arith.mulf %sub3A_12, %sub3A_14 : vector<1024x16xf32>
    %reduce_sum3A_15 = arith.constant dense<0.000000e+00> : vector<1024xf32>
    %reduce_sum3A_16 = vector.multi_reduction <add>, %mul3A, %reduce_sum3A_15 [1] : vector<1024x16xf32> to vector<1024xf32>
    %broadcast_in_dim3A_17 = vector.shape_cast %reduce_sum3A_16 : vector<1024xf32> to vector<1024x1xf32>
    %div3A_18 = arith.constant 1.600000e+01 : f32
    %div3A_19 = vector.broadcast %div3A_18 : f32 to vector<1024x1xf32>
    %div3A_20 = arith.divf %broadcast_in_dim3A_17, %div3A_19 : vector<1024x1xf32>
    %sub3A_21 = vector.broadcast %div3A_11 : vector<1024x1xf32> to vector<1024x16xf32>
    %sub3A_22 = arith.subf %add3A_6, %sub3A_21 : vector<1024x16xf32>
    %add3A_23 = arith.constant 9.99999974E-6 : f32
    %add3A_24 = vector.broadcast %add3A_23 : f32 to vector<1024x1xf32>
    %add3A_25 = arith.addf %div3A_20, %add3A_24 : vector<1024x1xf32>
    %rsqrt3A = math.rsqrt %add3A_25 : vector<1024x1xf32>
    %mul3A_26 = vector.broadcast %rsqrt3A : vector<1024x1xf32> to vector<1024x16xf32>
    %mul3A_27 = arith.mulf %sub3A_22, %mul3A_26 : vector<1024x16xf32>
    %get3A_28 = arith.constant 0 : index
    %get3A_29 = vector.load %arg3[%get3A_28] : memref<16xf32, #tpu.memory_space<vmem>>, vector<16xf32>
    %broadcast_in_dim3A_30 = vector.shape_cast %get3A_29 : vector<16xf32> to vector<1x16xf32>
    %mul3A_31 = vector.broadcast %broadcast_in_dim3A_30 : vector<1x16xf32> to vector<1024x16xf32>
    %mul3A_32 = arith.mulf %mul3A_27, %mul3A_31 : vector<1024x16xf32>
    %get3A_33 = arith.constant 0 : index
    %get3A_34 = vector.load %arg4[%get3A_33] : memref<16xf32, #tpu.memory_space<vmem>>, vector<16xf32>
    %broadcast_in_dim3A_35 = vector.shape_cast %get3A_34 : vector<16xf32> to vector<1x16xf32>
    %add3A_36 = vector.broadcast %broadcast_in_dim3A_35 : vector<1x16xf32> to vector<1024x16xf32>
    %add3A_37 = arith.addf %mul3A_32, %add3A_36 : vector<1024x16xf32>
    %tanh3A = math.tanh %add3A_37 : vector<1024x16xf32>
    %get3A_38 = arith.constant 0 : index
    %get3A_39 = arith.constant 0 : index
    %get3A_40 = vector.load %arg5[%get3A_38, %get3A_39] : memref<32x16xf32, #tpu.memory_space<vmem>>, vector<32x16xf32>
    %dot_general3A = arith.constant dense<0.000000e+00> : vector<1024x32xf32>
    %dot_general3A_41 = tpu.matmul %tanh3A, %get3A_40, %dot_general3A {dimension_numbers = #tpu.dot_dimension_numbers<[1], [1], [0], [0], [0, 0, 1, 0], [], []>, transpose_lhs_hint = false} : vector<1024x16xf32>, vector<32x16xf32>, vector<1024x32xf32> -> vector<1024x32xf32>
    %get3A_42 = arith.constant 0 : index
    %get3A_43 = vector.load %arg6[%get3A_42] : memref<32xf32, #tpu.memory_space<vmem>>, vector<32xf32>
    %broadcast_in_dim3A_44 = vector.shape_cast %get3A_43 : vector<32xf32> to vector<1x32xf32>
    %add3A_45 = vector.broadcast %broadcast_in_dim3A_44 : vector<1x32xf32> to vector<1024x32xf32>
    %add3A_46 = arith.addf %dot_general3A_41, %add3A_45 : vector<1024x32xf32>
    %reduce_sum3A_47 = arith.constant dense<0.000000e+00> : vector<1024xf32>
    %reduce_sum3A_48 = vector.multi_reduction <add>, %add3A_46, %reduce_sum3A_47 [1] : vector<1024x32xf32> to vector<1024xf32>
    %broadcast_in_dim3A_49 = vector.shape_cast %reduce_sum3A_48 : vector<1024xf32> to vector<1024x1xf32>
    %div3A_50 = arith.constant 3.200000e+01 : f32
    %div3A_51 = vector.broadcast %div3A_50 : f32 to vector<1024x1xf32>
    %div3A_52 = arith.divf %broadcast_in_dim3A_49, %div3A_51 : vector<1024x1xf32>
    %sub3A_53 = vector.broadcast %div3A_52 : vector<1024x1xf32> to vector<1024x32xf32>
    %sub3A_54 = arith.subf %add3A_46, %sub3A_53 : vector<1024x32xf32>
    %sub3A_55 = vector.broadcast %div3A_52 : vector<1024x1xf32> to vector<1024x32xf32>
    %sub3A_56 = arith.subf %add3A_46, %sub3A_55 : vector<1024x32xf32>
    %mul3A_57 = arith.mulf %sub3A_54, %sub3A_56 : vector<1024x32xf32>
    %reduce_sum3A_58 = arith.constant dense<0.000000e+00> : vector<1024xf32>
    %reduce_sum3A_59 = vector.multi_reduction <add>, %mul3A_57, %reduce_sum3A_58 [1] : vector<1024x32xf32> to vector<1024xf32>
    %broadcast_in_dim3A_60 = vector.shape_cast %reduce_sum3A_59 : vector<1024xf32> to vector<1024x1xf32>
    %div3A_61 = arith.constant 3.200000e+01 : f32
    %div3A_62 = vector.broadcast %div3A_61 : f32 to vector<1024x1xf32>
    %div3A_63 = arith.divf %broadcast_in_dim3A_60, %div3A_62 : vector<1024x1xf32>
    %sub3A_64 = vector.broadcast %div3A_52 : vector<1024x1xf32> to vector<1024x32xf32>
    %sub3A_65 = arith.subf %add3A_46, %sub3A_64 : vector<1024x32xf32>
    %add3A_66 = arith.constant 9.99999974E-6 : f32
    %add3A_67 = vector.broadcast %add3A_66 : f32 to vector<1024x1xf32>
    %add3A_68 = arith.addf %div3A_63, %add3A_67 : vector<1024x1xf32>
    %rsqrt3A_69 = math.rsqrt %add3A_68 : vector<1024x1xf32>
    %mul3A_70 = vector.broadcast %rsqrt3A_69 : vector<1024x1xf32> to vector<1024x32xf32>
    %mul3A_71 = arith.mulf %sub3A_65, %mul3A_70 : vector<1024x32xf32>
    %get3A_72 = arith.constant 0 : index
    %get3A_73 = vector.load %arg7[%get3A_72] : memref<32xf32, #tpu.memory_space<vmem>>, vector<32xf32>
    %broadcast_in_dim3A_74 = vector.shape_cast %get3A_73 : vector<32xf32> to vector<1x32xf32>
    %mul3A_75 = vector.broadcast %broadcast_in_dim3A_74 : vector<1x32xf32> to vector<1024x32xf32>
    %mul3A_76 = arith.mulf %mul3A_71, %mul3A_75 : vector<1024x32xf32>
    %get3A_77 = arith.constant 0 : index
    %get3A_78 = vector.load %arg8[%get3A_77] : memref<32xf32, #tpu.memory_space<vmem>>, vector<32xf32>
    %broadcast_in_dim3A_79 = vector.shape_cast %get3A_78 : vector<32xf32> to vector<1x32xf32>
    %add3A_80 = vector.broadcast %broadcast_in_dim3A_79 : vector<1x32xf32> to vector<1024x32xf32>
    %add3A_81 = arith.addf %mul3A_76, %add3A_80 : vector<1024x32xf32>
    %tanh3A_82 = math.tanh %add3A_81 : vector<1024x32xf32>
    %get3A_83 = arith.constant 0 : index
    %get3A_84 = arith.constant 0 : index
    %get3A_85 = vector.load %arg9[%get3A_83, %get3A_84] : memref<1000x32xf32, #tpu.memory_space<vmem>>, vector<1000x32xf32>
    %dot_general3A_86 = arith.constant dense<0.000000e+00> : vector<1000x1024xf32>
    %dot_general3A_87 = tpu.matmul %get3A_85, %tanh3A_82, %dot_general3A_86 {dimension_numbers = #tpu.dot_dimension_numbers<[1], [1], [0], [0], [0, 0, 1, 0], [], []>, transpose_lhs_hint = false} : vector<1000x32xf32>, vector<1024x32xf32>, vector<1000x1024xf32> -> vector<1000x1024xf32>
    %get3A_88 = arith.constant 0 : index
    %get3A_89 = vector.load %arg10[%get3A_88] : memref<1000xf32, #tpu.memory_space<vmem>>, vector<1000xf32>
    %broadcast_in_dim3A_90 = vector.shape_cast %get3A_89 : vector<1000xf32> to vector<1000x1xf32>
    %add3A_91 = vector.broadcast %broadcast_in_dim3A_90 : vector<1000x1xf32> to vector<1000x1024xf32>
    %add3A_92 = arith.addf %dot_general3A_87, %add3A_91 : vector<1000x1024xf32>
    %swap3A = arith.constant 0 : index
    %swap3A_93 = arith.constant 0 : index
    %swap3A_94 = vector.load %arg11[%swap3A, %swap3A_93] : memref<1000x1024xf32, #tpu.memory_space<vmem>>, vector<1000x1024xf32>
    tpu.vector_store %arg11[%swap3A, %swap3A_93], %add3A_92 {strides = array<i32>} : memref<1000x1024xf32, #tpu.memory_space<vmem>>, vector<1000x1024xf32>,
    return
  }
  func.func @transform_0(%arg0: i32) -> (i32, i32, i32) {
    %c0_i32 = arith.constant 0 : i32
    %c0_i32_0 = arith.constant 0 : i32
    %c0_i32_1 = arith.constant 0 : i32
    return %c0_i32, %arg0, %c0_i32_0 : i32, i32, i32
  }
  func.func @transform_1(%arg0: i32) -> i32 {
    %c0_i32 = arith.constant 0 : i32
    %c0_i32_0 = arith.constant 0 : i32
    return %c0_i32 : i32
  }
  func.func @transform_2(%arg0: i32) -> i32 {
    %c0_i32 = arith.constant 0 : i32
    %c0_i32_0 = arith.constant 0 : i32
    return %c0_i32 : i32
  }
  func.func @transform_3(%arg0: i32) -> i32 {
    %c0_i32 = arith.constant 0 : i32
    %c0_i32_0 = arith.constant 0 : i32
    return %c0_i32 : i32
  }
  func.func @transform_4(%arg0: i32) -> (i32, i32) {
    %c0_i32 = arith.constant 0 : i32
    %c0_i32_0 = arith.constant 0 : i32
    %c0_i32_1 = arith.constant 0 : i32
    return %c0_i32, %c0_i32_0 : i32, i32
  }
  func.func @transform_5(%arg0: i32) -> i32 {
    %c0_i32 = arith.constant 0 : i32
    %c0_i32_0 = arith.constant 0 : i32
    return %c0_i32 : i32
  }
  func.func @transform_6(%arg0: i32) -> i32 {
    %c0_i32 = arith.constant 0 : i32
    %c0_i32_0 = arith.constant 0 : i32
    return %c0_i32 : i32
  }
  func.func @transform_7(%arg0: i32) -> i32 {
    %c0_i32 = arith.constant 0 : i32
    %c0_i32_0 = arith.constant 0 : i32
    return %c0_i32 : i32
  }
  func.func @transform_8(%arg0: i32) -> (i32, i32) {
    %c0_i32 = arith.constant 0 : i32
    %c0_i32_0 = arith.constant 0 : i32
    %c0_i32_1 = arith.constant 0 : i32
    return %c0_i32, %c0_i32_0 : i32, i32
  }
  func.func @transform_9(%arg0: i32) -> i32 {
    %c0_i32 = arith.constant 0 : i32
    %c0_i32_0 = arith.constant 0 : i32
    return %c0_i32 : i32
  }
  func.func @transform_10(%arg0: i32) -> (i32, i32) {
    %c0_i32 = arith.constant 0 : i32
    %c0_i32_0 = arith.constant 0 : i32
    return %c0_i32, %arg0 : i32, i32
  }
}

</mosaic_0001>

<sc_bundles>
// kernel: kernel.5.cloned.1.call-start
scs
__scs_entry_jumppad:
0x0: {  	(pc) =	sbr.rel $0x88, $3  }
0x1: {  	(tag) =	ssettag $0x0;
	lr =	simm.s32 $0x1  }
0x2: {  	[smem:$0x3F95] =	sst lr;
	_ =	strace $0xD0000000  }
0x3: {  	_ = 	snop  }
0x4: {  	_ = 	snop  }
0x5: {  	_ = 	snop  }
0x6: {  	_ = 	snop  }
0x7: {  	_ = 	snop  }
__scs_overlays_trampoline_lowered:
0x8: {  	[smem:$0x3FA4] =	sst s0  }
0x9: {  	[smem:$0x3FA5] =	sst s1  }
0xa: {  	[smem:$0x3FA6] =	sst s2  }
0xb: {  	[smem:$0x3FA7] =	sst s3  }
0xc: {  	[smem:$0x3FA8] =	sst s4  }
0xd: {  	[smem:$0x3FA9] =	sst s5  }
0xe: {  	[smem:$0x3FAA] =	sst s6  }
0xf: {  	[smem:$0x3FAB] =	sst s7  }
0x10: {  	[smem:$0x3FAC] =	sst s8  }
0x11: {  	[smem:$0x3FAD] =	sst s9;
	s0 =	simm.s32 @!p0 $0x0  }
0x12: {  	s1 =	sld [smem:$0x3F93];
	s0 =	simm.s32 @p0 $0x1  }
0x13: {  	[smem:$0x3FAE] =	sst s0;
	s0 =	simm.s32 @!p1 $0x0  }
0x14: {  	s2 =	sld [smem:$0x3F92];
	s0 =	simm.s32 @p1 $0x1  }
0x15: {  	[smem:$0x3FAF] =	sst s0;
	s0 =	simm.s32 @!p2 $0x0  }
0x16: {  	s3 =	sld [smem:$0x3FDB];
	s0 =	simm.s32 @p2 $0x1  }
0x17: {  	s4 =	simm.s32 $0x1BF5;
	[smem:$0x3FB1] =	sst s0  }
0x18: {  	s0 =	sld [smem:$0x3F94];
	_ =	swait.ge [sflag:s4], $0x0  }
0x19: {  	s7 =	sld [smem:$0x3F95]  }
0x1a: {  	s8 =	sadd.s32 $0xFFFFE003, lr  }
0x1b: {  	s9 =	sadd.s32 $0xFFFFFEF7, lr;
	s5 =	simm.s32 $0xFFFFFFFF;
	p2 =	slt.u32 s8, $0xFFFFF086  }
0x1c: {  	p1 =	slt.u32 s9, $0xF7A;
	s5 =	simm.s32 @!p2 $0x0  }
0x1d: {  	s5 =	simm.s32 @p1 $0x1;
	p0 =	seq.s32 s7, s2  }
0x1e: {  	s7 =	smul.u32 @!p0 $0xF7A, s2;
	p2 =	seq.s32 @!p0 s5, $0x0  }
0x1f: {  	s9 =	smul.u32 $0xF7A, s1;
	s8 =	simm.s32 @!p0 $0x1BF5;
	p2 =	por !p2, p0  }
0x20: {  	[sflag:s8] =	ssyncset.s32 @!p0 $0xFFFFF086;
	s6 =	sadd.s32 @!p0 s3, s7;
	s7 =	simm.s32 @!p0 $0x108  }
0x21: {  	s3 =	sadd.s32 s3, s9;
	s6 =	sadd.s32 @!p0 $0x88, s6;
	s7 =	simm.s32 @p2 $0x1082  }
0x22: {  	[simem:s7], [sflag:s8] =	dma.local @!p0 [hbm:s6], $0xF7A  }
0x23: {  	s9 =	sor.u32 $0xD0000000, s2;
	s6 =	simm.s32 $0x108;
	_ =	swait.ge @!p0 [sflag:s8], $0x0  }
0x24: {  	s3 =	sadd.s32 $0x88, s3;
	s6 =	simm.s32 @!p1 $0x1082;
	[sflag:s4] =	ssyncset.s32 $0xFFFFF086  }
0x25: {  	[simem:s6], [sflag:s4] =	dma.local [hbm:s3], $0xF7A  }
0x26: {  	[smem:$0x3F95] =	sst s1;
	(tag) =	ssettag s2;
	_ =	strace s9  }
0x27: {  	s1 =	sld [smem:$0x3FA5]  }
0x28: {  	s2 =	sld [smem:$0x3FA6]  }
0x29: {  	s4 =	sld [smem:$0x3FA8]  }
0x2a: {  	p0 =	seq.s32 s5, $0x0;
	s5 =	sld [smem:$0x3FA9]  }
0x2b: {  	s6 =	sld [smem:$0x3FAA]  }
0x2c: {  	s7 =	sld [smem:$0x3FAB]  }
0x2d: {  	s3 =	simm.s32 $0x108;
	s8 =	sld [smem:$0x3FAC]  }
0x2e: {  	s3 =	simm.s32 @!p0 $0x1082;
	s9 =	sld [smem:$0x3FAD]  }
0x2f: {  	lr =	sadd.s32 s0, s3;
	s0 =	sld [smem:$0x3FA4]  }
0x30: {  	s3 =	sld [smem:$0x3FA7]  }
0x31: {  	[smem:$0x3FB0] =	sst s10  }
0x32: {  	s10 =	sld [smem:$0x3FAE];
	_ =	sdelay $0x3  }
0x33: {  	p0 =	seq.s32 s10, $0x1;
	s10 =	sld [smem:$0x3FB0];
	_ =	sdelay $0x3  }
0x34: {  	[smem:$0x3FB0] =	sst s10  }
0x35: {  	s10 =	sld [smem:$0x3FAF];
	_ =	sdelay $0x3  }
0x36: {  	p1 =	seq.s32 s10, $0x1;
	s10 =	sld [smem:$0x3FB0];
	_ =	sdelay $0x3  }
0x37: {  	[smem:$0x3FB0] =	sst s10  }
0x38: {  	s10 =	sld [smem:$0x3FB1]  }
0x39: {  	_ = 	snop;
	(pc) =	sbr.ind lr, $3  }
0x3a: {  	_ = 	snop  }
0x3b: {  	_ = 	snop  }
0x3c: {  	p2 =	seq.s32 s10, $0x1;
	s10 =	sld [smem:$0x3FB0]  }
0x3d: {  	_ =	shalt  }
0x3e: {  	_ =	shalt  }
0x3f: {  	_ =	shalt  }
0x40: {  	_ =	shalt  }
0x41: {  	_ =	shalt  }
0x42: {  	_ =	shalt  }
0x43: {  	_ =	shalt  }
0x44: {  	_ =	shalt  }
0x45: {  	_ =	shalt  }
0x46: {  	_ =	shalt  }
0x47: {  	_ =	shalt  }
0x48: {  	_ =	shalt  }
0x49: {  	_ =	shalt  }
0x4a: {  	_ =	shalt  }
0x4b: {  	_ =	shalt  }
0x4c: {  	_ =	shalt  }
0x4d: {  	_ =	shalt  }
0x4e: {  	_ =	shalt  }
0x4f: {  	_ =	shalt  }
0x50: {  	_ =	shalt  }
0x51: {  	_ =	shalt  }
0x52: {  	_ =	shalt  }
0x53: {  	_ =	shalt  }
0x54: {  	_ =	shalt  }
0x55: {  	_ =	shalt  }
0x56: {  	_ =	shalt  }
0x57: {  	_ =	shalt  }
0x58: {  	_ =	shalt  }
0x59: {  	_ =	shalt  }
0x5a: {  	_ =	shalt  }
0x5b: {  	_ =	shalt  }
0x5c: {  	_ =	shalt  }
0x5d: {  	_ =	shalt  }
0x5e: {  	_ =	shalt  }
0x5f: {  	_ =	shalt  }
0x60: {  	_ =	shalt  }
0x61: {  	_ =	shalt  }
0x62: {  	_ =	shalt  }
0x63: {  	_ =	shalt  }
0x64: {  	_ =	shalt  }
0x65: {  	_ =	shalt  }
0x66: {  	_ =	shalt  }
0x67: {  	_ =	shalt  }
0x68: {  	_ =	shalt  }
0x69: {  	_ =	shalt  }
0x6a: {  	_ =	shalt  }
0x6b: {  	_ =	shalt  }
0x6c: {  	_ =	shalt  }
0x6d: {  	_ =	shalt  }
0x6e: {  	_ =	shalt  }
0x6f: {  	_ =	shalt  }
0x70: {  	_ =	shalt  }
0x71: {  	_ =	shalt  }
0x72: {  	_ =	shalt  }
0x73: {  	_ =	shalt  }
0x74: {  	_ =	shalt  }
0x75: {  	_ =	shalt  }
0x76: {  	_ =	shalt  }
0x77: {  	_ =	shalt  }
0x78: {  	_ =	shalt  }
0x79: {  	_ =	shalt  }
0x7a: {  	_ =	shalt  }
0x7b: {  	_ =	shalt  }
0x7c: {  	_ =	shalt  }
0x7d: {  	_ =	shalt  }
0x7e: {  	_ =	shalt  }
0x7f: {  	_ =	shalt  }
0x80: {  	_ =	shalt  }
0x81: {  	_ =	shalt  }
0x82: {  	_ =	shalt  }
0x83: {  	_ =	shalt  }
0x84: {  	_ =	shalt  }
0x85: {  	_ =	shalt  }
0x86: {  	_ =	shalt  }
0x87: {  	_ =	shalt  }
.Lfunc_end0:
.L_simem_size_0:
called_computation_lowered:
.L_overlay_start_0:
0x88: {  	s2 =	sld [smem:$0x3FD9]  }
0x89: {  	s3 =	sld [smem:$0x3FFE];
	_ =	sdelay $0x1  }
0x8a: {  	s1 =	srdreg.scid  }
0x8b: {  	s0 =	sand.u32 $0x1, s1  }
0x8c: {  	s17 =	sshll.u32 s0, $0xA;
	s2 =	sadd.s32 s3, s2  }
0x8d: {  	s2 =	sadd.s32 s2, s17  }
0x8e: {  	[smem:$0x3FBC] =	sst s2  }
0x8f: {  	_ = 	snop  }
0x90: {  	s2 =	sld [smem:$0x3FD0];
	(tm) =	ssettm $0x1  }
0x91: {  	s18 =	sld [smem:$0x3FFB];
	_ =	sdelay $0x3  }
0x92: {  	_ =	strace s18  }
0x93: {  	s3 =	sld [smem:$0x3FFC];
	_ =	sdelay $0x3  }
0x94: {  	_ =	strace s3  }
0x95: {  	s3 =	sld [smem:$0x3FFD];
	_ =	sdelay $0x3  }
0x96: {  	_ =	strace s3  }
0x97: {  	_ =	strace $0x8FFFFFFF  }
0x98: {  	s19 =	sld [smem:$0x3FDB];
	_ =	sdelay $0x1  }
0x99: {  	s4 =	simm.s32 $_scs_section_size  }
0x9a: {  	s5 =	simm.s32 $_size__tile_overlayer_lowered;
	s6 =	simm.s32 $_tile_overlayer_lowered  }
0x9b: {  	s22 =	simm.s32 $0x1BFF;
	s21 =	sshll.u32 s6, $0x1;
	s3 =	sadd.s32 s4, s19  }
0x9c: {  	s7 =	simm.s32 $0x0;
	s20 =	sshll.u32 s5, $0x1;
	s5 =	sadd.s32 s21, s3  }
0x9d: {  	[timem:s7], [sflag:s22] =	dma.local [hbm:s5], s20  }
0x9e: {  	_ =	swait.ge [sflag:s22], s20  }
0x9f: {  	s4 =	ssub.s32 $0x0, s20;
	[sflag:s22] =	ssyncset.done $0x0  }
0xa0: {  	[sflag:s22] =	ssyncadd.s32 s4;
	_ =	sdelay $0x1  }
0xa1: {  	s23 =	simm.s32 $0x1B8B  }
0xa2: {  	_ =	swait.ge [sflag:s23], $0x1  }
0xa3: {  	[sflag:s23] =	ssyncset.done $0x0  }
0xa4: {  	s25 =	simm.s32 $0x1B8E;
	s24 =	sld [smem:$0x3FFE];
	[sflag:s23] =	ssyncadd.s32 $0xFFFFFFFF  }
0xa5: {  	s26 =	simm.s32 $execute0_lowered;
	[smem:$0x3FD2] =	sst s25  }
0xa6: {  	s5 =	sshll.u32 s26, $0x1;
	_ =	strace $0x80000046;
	[dreg:$0x1] =	wrdreg $0xFFFFFFFF  }
0xa7: {  	s28 =	simm.s32 $_size_execute0_lowered;
	s3 =	sadd.s32 s3, s5;
	[dreg:$0x0] =	wrdreg $0x0  }
0xa8: {  	s5 =	sshll.u32 s28, $0x1;
	[dreg:$0x2] =	wrdreg s3  }
0xa9: {  	[dreg:$0x3] =	wrdreg s5  }
0xaa: {  	[dreg:$0x4] =	wrdreg $0xC0  }
0xab: {  	_ =	task [dreg:s7], $0x5FFFF  }
0xac: {  	[dreg:$0x1] =	wrdreg $0xFFFFFFFF  }
0xad: {  	[dreg:$0x0] =	wrdreg $0x60  }
0xae: {  	[dreg:$0x2] =	wrdreg s24  }
0xaf: {  	[dreg:$0x3] =	wrdreg s2  }
0xb0: {  	[dreg:$0x4] =	wrdreg $0x9  }
0xb1: {  	_ =	task.clear_ibuf [dreg:s7], $0x5FFFF;
	_ =	strace $0x90000046  }
0xb2: {  	s29 =	simm.s32 $0x9;
	_ =	strace $0x80000048  }
0xb3: {  	_ =	swait.ge [sflag:s29], $0x1  }
0xb4: {  	[sflag:s29] =	ssyncadd.s32 $0xFFFFFFFF  }
0xb5: {  	_ =	strace $0x90000048  }
0xb6: {  	_ =	sfence  }
0xb7: {  	s30 =	sld [smem:$0x0];
	_ =	sdelay $0x2  }
0xb8: {  	s31 =	sshll.u32 s1, $0xD;
	s1 =	sshrl.u32 s1, $0x2  }
0xb9: {  	s3 =	sand.u32 $0x4000, s31;
	s1 =	sadd.s32 s1, s30  }
0xba: {  	s0 =	sor.u32 s3, s0;
	s1 =	sshll.u32 s1, $0x11  }
0xbb: {  	s0 =	sor.u32 s1, s0  }
0xbc: {  	s0 =	sadd.s32 $0x8F2B, s0  }
0xbd: {  	[sflag:s0] =	ssyncadd.remote.s32 $0x1  }
0xbe: {  	_ =	sfence.sel $0xFFFF  }
0xbf: {  	[dreg:$0x0] =	wrdreg $0xFFFFFFFF;
	(pc) =	sbr.abs _section_cstart, $3  }
0xc0: {  	[dreg:$0x1] =	wrdreg $0xFFFFFFFF  }
0xc1: {  	_ =	task.clear_ibuf [dreg:s7], $0x2FFFF;
	_ =	strace $0x9FFFFFFF  }
0xc2: {  	(tm) =	ssettm $0x7FFFFFFF  }
0xc3: {  	_ =	shalt  }
tec
execute0_lowered:
.L_overlay_start_1:
0x0: {  	(tag) =	ssettag $0x1  }
0x1: {  	s0 =	rddreg [dreg:$0x0]  }
0x2: {  	s2 =	rddreg [dreg:$0x1]  }
0x3: {  	s4 =	stileid.u32;
	s1 =	srdreg.scid;
	s10 =	simm.s32 $0x80  }
0x4: {  	s19 =	simm.s32 $0x16400;
	s21 =	simm.s32 $0x16C00;
	s23 =	simm.s32 $0x17400  }
0x5: {  	s28 =	simm.s32 $0x18400;
	s30 =	simm.s32 $0x18C00;
	s13 =	simm.s32 $0x19C00  }
0x6: {  	s18 =	simm.s32 $0x1A400;
	s22 =	simm.s32 $0x1AC00;
	s31 =	simm.s32 $0x1BC00  }
0x7: {  	s15 =	simm.s32 $0x1C400;
	s29 =	simm.s32 $0x1DC00;
	s20 =	simm.s32 $0x1E400  }
0x8: {  	s8 =	simm.s32 $0x1;
	s9 =	simm.s32 $0x2;
	s12 =	simm.s32 $0x0  }
0x9: {  	s3 =	sshll.u32 s4, $0x1;
	s1 =	sand.u32 $0x1, s1;
	s4 =	sshrl.u32 s4, $0x1  }
0xa: {  	s5 =	sand.u32 $0x2, s3;
	s3 =	simm.s32 $0x0;
	s6 =	smul.u32 $0x19000, s4  }
0xb: {  	s4 =	sshll.u32 s4, $0xD;
	s5 =	sor.u32 s1, s5;
	[smem:$0x7FF] =	sst s3  }
0xc: {  	s1 =	ssub.s32 $0x2, s1;
	s7 =	sshll.u32 s5, $0xA;
	_ =	strace $0x80000047  }
0xd: {  	s5 =	sshll.u32 s5, $0xB;
	s24 =	sshrl.u32 s1, $0x1;
	s6 =	sor.u32 s6, s7  }
0xe: {  	s4 =	sor.u32 s4, s5;
	s1 =	ssub.s32 s1, s24;
	s24 =	simm.s32 $0x1CC00  }
0xf: {  	s7 =	simm.s32 $0x1EC00;
	s6 =	sshrl.u32 s6, $0x3;
	s26 =	smax.u32 s1, $0x1  }
0x10: {  	s1 =	simm.s32 $0x1D400;
	s6 =	sadd.s32 s6, s0;
	s0 =	sadd.s32 s4, s0  }
0x11: {  	[dreg:$0x4] =	wrdreg s26;
	s26 =	simm.s32 $0x1B400;
	s4 =	simm.s32 $0x1F400  }
0x12: {  	s25 =	sadd.s32 $0x2000, s6;
	s5 =	sadd.s32 $0x1B000, s0;
	s0 =	simm.s32 $0x19400  }
0x13: {  	s6 =	simm.s32 $0x4;
	[dreg:$0x3] =	wrdreg s25;
	s25 =	simm.s32 $0x17C00  }
.LBB2_1:
0x14: {  	[dreg:$0x5] =	wrdreg s12  }
0x15: {  	s11 =	rddreg [dreg:$0x3]  }
0x16: {  	s12 =	simm.s32 $0x400;
	s14 =	simm.s32 $0x1000;
	s17 =	simm.s32 $0x3  }
0x17: {  	[tilespmem:s3], [sflag:$0x3] =	stream.strided.gather [hbm4b:s11+s12], $0x6400, s14, s12, $0x38;
	[tilespmem:$0x1FC00] =	vst v63  }
0x18: {  	_ =	swait.ge [sflag:s17], $0x6400  }
0x19: {  	[sflag:s17] =	ssyncset.done $0x0  }
0x1a: {  	s16 =	simm.s32 $0x6400;
	[sflag:s17] =	ssyncadd.s32 $0xFFFF9C00  }
0x1b: {  	[tilespmem:s16], [sflag:$0x1] =	stream.indirect.gather [hbm4b:s2+s10], $0x10, s3, s10, $0xb8;
	[tilespmem:$0x1FC00] =	vst v63  }
0x1c: {  	s17 =	simm.s32 $0x6C00  }
0x1d: {  	[tilespmem:s17], [sflag:$0x1] =	stream.indirect.gather [hbm4b:s2+s10], $0x10, s12, s10, $0xb8;
	[tilespmem:$0x1FC00] =	vst v63  }
0x1e: {  	s16 =	simm.s32 $0x800;
	s17 =	simm.s32 $0x7400  }
0x1f: {  	[tilespmem:s17], [sflag:$0x1] =	stream.indirect.gather [hbm4b:s2+s10], $0x10, s16, s10, $0xb8;
	[tilespmem:$0x1FC00] =	vst v63  }
0x20: {  	s12 =	simm.s32 $0xC00;
	s16 =	simm.s32 $0x7C00  }
0x21: {  	[tilespmem:s16], [sflag:$0x1] =	stream.indirect.gather [hbm4b:s2+s10], $0x10, s12, s10, $0xb8;
	[tilespmem:$0x1FC00] =	vst v63  }
0x22: {  	s17 =	simm.s32 $0x8400  }
0x23: {  	[tilespmem:s17], [sflag:$0x1] =	stream.indirect.gather [hbm4b:s2+s10], $0x10, s14, s10, $0xb8;
	[tilespmem:$0x1FC00] =	vst v63  }
0x24: {  	s12 =	simm.s32 $0x1400;
	s14 =	simm.s32 $0x8C00  }
0x25: {  	[tilespmem:s14], [sflag:$0x1] =	stream.indirect.gather [hbm4b:s2+s10], $0x10, s12, s10, $0xb8;
	[tilespmem:$0x1FC00] =	vst v63  }
0x26: {  	s16 =	simm.s32 $0x1800;
	s17 =	simm.s32 $0x9400  }
0x27: {  	[tilespmem:s17], [sflag:$0x1] =	stream.indirect.gather [hbm4b:s2+s10], $0x10, s16, s10, $0xb8;
	[tilespmem:$0x1FC00] =	vst v63  }
0x28: {  	s12 =	simm.s32 $0x1C00;
	s14 =	simm.s32 $0x9C00  }
0x29: {  	[tilespmem:s14], [sflag:$0x1] =	stream.indirect.gather [hbm4b:s2+s10], $0x10, s12, s10, $0xb8;
	[tilespmem:$0x1FC00] =	vst v63  }
0x2a: {  	s16 =	simm.s32 $0x2000;
	s17 =	simm.s32 $0xA400  }
0x2b: {  	[tilespmem:s17], [sflag:$0x1] =	stream.indirect.gather [hbm4b:s2+s10], $0x10, s16, s10, $0xb8;
	[tilespmem:$0x1FC00] =	vst v63  }
0x2c: {  	s12 =	simm.s32 $0x2400;
	s14 =	simm.s32 $0xAC00  }
0x2d: {  	[tilespmem:s14], [sflag:$0x1] =	stream.indirect.gather [hbm4b:s2+s10], $0x10, s12, s10, $0xb8;
	[tilespmem:$0x1FC00] =	vst v63  }
0x2e: {  	s16 =	simm.s32 $0x2800;
	s17 =	simm.s32 $0xB400  }
0x2f: {  	[tilespmem:s17], [sflag:$0x1] =	stream.indirect.gather [hbm4b:s2+s10], $0x10, s16, s10, $0xb8;
	[tilespmem:$0x1FC00] =	vst v63  }
0x30: {  	s12 =	simm.s32 $0x2C00;
	s14 =	simm.s32 $0xBC00  }
0x31: {  	[tilespmem:s14], [sflag:$0x1] =	stream.indirect.gather [hbm4b:s2+s10], $0x10, s12, s10, $0xb8;
	[tilespmem:$0x1FC00] =	vst v63  }
0x32: {  	s16 =	simm.s32 $0x3000;
	s17 =	simm.s32 $0xC400  }
0x33: {  	[tilespmem:s17], [sflag:$0x1] =	stream.indirect.gather [hbm4b:s2+s10], $0x10, s16, s10, $0xb8;
	[tilespmem:$0x1FC00] =	vst v63  }
0x34: {  	s12 =	simm.s32 $0x3400;
	s14 =	simm.s32 $0xCC00  }
0x35: {  	[tilespmem:s14], [sflag:$0x1] =	stream.indirect.gather [hbm4b:s2+s10], $0x10, s12, s10, $0xb8;
	[tilespmem:$0x1FC00] =	vst v63  }
0x36: {  	s16 =	simm.s32 $0x3800;
	s17 =	simm.s32 $0xD400  }
0x37: {  	[tilespmem:s17], [sflag:$0x1] =	stream.indirect.gather [hbm4b:s2+s10], $0x10, s16, s10, $0xb8;
	[tilespmem:$0x1FC00] =	vst v63  }
0x38: {  	s12 =	simm.s32 $0x3C00;
	s14 =	simm.s32 $0xDC00  }
0x39: {  	[tilespmem:s14], [sflag:$0x1] =	stream.indirect.gather [hbm4b:s2+s10], $0x10, s12, s10, $0xb8;
	[tilespmem:$0x1FC00] =	vst v63  }
0x3a: {  	s16 =	simm.s32 $0x4000;
	s17 =	simm.s32 $0xE400  }
0x3b: {  	[tilespmem:s17], [sflag:$0x1] =	stream.indirect.gather [hbm4b:s2+s10], $0x10, s16, s10, $0xb8;
	[tilespmem:$0x1FC00] =	vst v63  }
0x3c: {  	s12 =	simm.s32 $0x4400;
	s14 =	simm.s32 $0xEC00  }
0x3d: {  	[tilespmem:s14], [sflag:$0x1] =	stream.indirect.gather [hbm4b:s2+s10], $0x10, s12, s10, $0xb8;
	[tilespmem:$0x1FC00] =	vst v63  }
0x3e: {  	s16 =	simm.s32 $0x4800;
	s17 =	simm.s32 $0xF400  }
0x3f: {  	[tilespmem:s17], [sflag:$0x1] =	stream.indirect.gather [hbm4b:s2+s10], $0x10, s16, s10, $0xb8;
	[tilespmem:$0x1FC00] =	vst v63  }
0x40: {  	s12 =	simm.s32 $0x4C00;
	s14 =	simm.s32 $0xFC00  }
0x41: {  	[tilespmem:s14], [sflag:$0x1] =	stream.indirect.gather [hbm4b:s2+s10], $0x10, s12, s10, $0xb8;
	[tilespmem:$0x1FC00] =	vst v63  }
0x42: {  	s16 =	simm.s32 $0x5000;
	s17 =	simm.s32 $0x10400  }
0x43: {  	[tilespmem:s17], [sflag:$0x1] =	stream.indirect.gather [hbm4b:s2+s10], $0x10, s16, s10, $0xb8;
	[tilespmem:$0x1FC00] =	vst v63  }
0x44: {  	s12 =	simm.s32 $0x5400;
	s14 =	simm.s32 $0x10C00  }
0x45: {  	[tilespmem:s14], [sflag:$0x1] =	stream.indirect.gather [hbm4b:s2+s10], $0x10, s12, s10, $0xb8;
	[tilespmem:$0x1FC00] =	vst v63  }
0x46: {  	s16 =	simm.s32 $0x5800;
	s17 =	simm.s32 $0x11400  }
0x47: {  	[tilespmem:s17], [sflag:$0x1] =	stream.indirect.gather [hbm4b:s2+s10], $0x10, s16, s10, $0xb8;
	[tilespmem:$0x1FC00] =	vst v63  }
0x48: {  	s12 =	simm.s32 $0x5C00;
	s14 =	simm.s32 $0x11C00  }
0x49: {  	[tilespmem:s14], [sflag:$0x1] =	stream.indirect.gather [hbm4b:s2+s10], $0x10, s12, s10, $0xb8;
	[tilespmem:$0x1FC00] =	vst v63  }
0x4a: {  	s11 =	simm.s32 $0x0;
	s16 =	simm.s32 $0x6000;
	s17 =	simm.s32 $0x12400  }
0x4b: {  	[tilespmem:s17], [sflag:$0x1] =	stream.indirect.gather [hbm4b:s2+s10], $0x10, s16, s10, $0xb8;
	[tilespmem:$0x1FC00] =	vst v63  }
.LBB2_2:
0x4c: {  	s12 =	sshllo.u32 s11, $0x1  }
0x4d: {  	s14 =	sshll.u32 s12, $0x7  }
0x4e: {  	s16 =	simm.s32 $0x12C00;
	s14 =	sand.u32 $0x3FFFFF80, s14  }
0x4f: {  	[tilespmem:s16], [sflag:$0x2] =	stream.indirect.gather [hbm4b:s2+s10], $0x10, s14, s10, $0xb8;
	[tilespmem:$0x1FC00] =	vst v63  }
0x50: {  	s17 =	simm.s32 $0x13400;
	s16 =	sadd.s32 $0x400, s14  }
0x51: {  	[tilespmem:s17], [sflag:$0x2] =	stream.indirect.gather [hbm4b:s2+s10], $0x10, s16, s10, $0xb8;
	[tilespmem:$0x1FC00] =	vst v63  }
0x52: {  	s16 =	sadd.s32 $0x800, s14;
	s17 =	simm.s32 $0x13C00  }
0x53: {  	[tilespmem:s17], [sflag:$0x2] =	stream.indirect.gather [hbm4b:s2+s10], $0x10, s16, s10, $0xb8;
	[tilespmem:$0x1FC00] =	vst v63  }
0x54: {  	s16 =	sadd.s32 $0xC00, s14;
	s17 =	simm.s32 $0x14400  }
0x55: {  	[tilespmem:s17], [sflag:$0x2] =	stream.indirect.gather [hbm4b:s2+s10], $0x10, s16, s10, $0xb8;
	[tilespmem:$0x1FC00] =	vst v63  }
0x56: {  	s16 =	sadd.s32 $0x1000, s14;
	s17 =	simm.s32 $0x14C00  }
0x57: {  	[tilespmem:s17], [sflag:$0x2] =	stream.indirect.gather [hbm4b:s2+s10], $0x10, s16, s10, $0xb8;
	[tilespmem:$0x1FC00] =	vst v63  }
0x58: {  	s16 =	sadd.s32 $0x1400, s14;
	s17 =	simm.s32 $0x15400  }
0x59: {  	[tilespmem:s17], [sflag:$0x2] =	stream.indirect.gather [hbm4b:s2+s10], $0x10, s16, s10, $0xb8;
	[tilespmem:$0x1FC00] =	vst v63  }
0x5a: {  	s16 =	sadd.s32 $0x1800, s14;
	s17 =	simm.s32 $0x15C00  }
0x5b: {  	[tilespmem:s17], [sflag:$0x2] =	stream.indirect.gather [hbm4b:s2+s10], $0x10, s16, s10, $0xb8;
	[tilespmem:$0x1FC00] =	vst v63  }
0x5c: {  	s17 =	sadd.s32 $0x1C00, s14  }
0x5d: {  	[tilespmem:s19], [sflag:$0x2] =	stream.indirect.gather [hbm4b:s2+s10], $0x10, s17, s10, $0xb8;
	[tilespmem:$0x1FC00] =	vst v63  }
0x5e: {  	s17 =	sadd.s32 $0x2000, s14  }
0x5f: {  	[tilespmem:s21], [sflag:$0x2] =	stream.indirect.gather [hbm4b:s2+s10], $0x10, s17, s10, $0xb8;
	[tilespmem:$0x1FC00] =	vst v63  }
0x60: {  	s17 =	sadd.s32 $0x2400, s14  }
0x61: {  	[tilespmem:s23], [sflag:$0x2] =	stream.indirect.gather [hbm4b:s2+s10], $0x10, s17, s10, $0xb8;
	[tilespmem:$0x1FC00] =	vst v63  }
0x62: {  	s17 =	sadd.s32 $0x2800, s14  }
0x63: {  	[tilespmem:s25], [sflag:$0x2] =	stream.indirect.gather [hbm4b:s2+s10], $0x10, s17, s10, $0xb8;
	[tilespmem:$0x1FC00] =	vst v63  }
0x64: {  	s17 =	sadd.s32 $0x2C00, s14  }
0x65: {  	[tilespmem:s28], [sflag:$0x2] =	stream.indirect.gather [hbm4b:s2+s10], $0x10, s17, s10, $0xb8;
	[tilespmem:$0x1FC00] =	vst v63  }
0x66: {  	s17 =	sadd.s32 $0x3000, s14  }
0x67: {  	[tilespmem:s30], [sflag:$0x2] =	stream.indirect.gather [hbm4b:s2+s10], $0x10, s17, s10, $0xb8;
	[tilespmem:$0x1FC00] =	vst v63  }
0x68: {  	s17 =	sadd.s32 $0x3400, s14  }
0x69: {  	[tilespmem:s0], [sflag:$0x2] =	stream.indirect.gather [hbm4b:s2+s10], $0x10, s17, s10, $0xb8;
	[tilespmem:$0x1FC00] =	vst v63  }
0x6a: {  	s17 =	sadd.s32 $0x3800, s14  }
0x6b: {  	[tilespmem:s13], [sflag:$0x2] =	stream.indirect.gather [hbm4b:s2+s10], $0x10, s17, s10, $0xb8;
	[tilespmem:$0x1FC00] =	vst v63  }
0x6c: {  	s17 =	sadd.s32 $0x3C00, s14  }
0x6d: {  	[tilespmem:s18], [sflag:$0x2] =	stream.indirect.gather [hbm4b:s2+s10], $0x10, s17, s10, $0xb8;
	[tilespmem:$0x1FC00] =	vst v63  }
0x6e: {  	s17 =	sadd.s32 $0x4000, s14  }
0x6f: {  	[tilespmem:s22], [sflag:$0x2] =	stream.indirect.gather [hbm4b:s2+s10], $0x10, s17, s10, $0xb8;
	[tilespmem:$0x1FC00] =	vst v63  }
0x70: {  	s17 =	sadd.s32 $0x4400, s14  }
0x71: {  	[tilespmem:s26], [sflag:$0x2] =	stream.indirect.gather [hbm4b:s2+s10], $0x10, s17, s10, $0xb8;
	[tilespmem:$0x1FC00] =	vst v63  }
0x72: {  	s17 =	sadd.s32 $0x4800, s14  }
0x73: {  	[tilespmem:s31], [sflag:$0x2] =	stream.indirect.gather [hbm4b:s2+s10], $0x10, s17, s10, $0xb8;
	[tilespmem:$0x1FC00] =	vst v63  }
0x74: {  	s17 =	sadd.s32 $0x4C00, s14  }
0x75: {  	[tilespmem:s15], [sflag:$0x2] =	stream.indirect.gather [hbm4b:s2+s10], $0x10, s17, s10, $0xb8;
	[tilespmem:$0x1FC00] =	vst v63  }
0x76: {  	s17 =	sadd.s32 $0x5000, s14  }
0x77: {  	[tilespmem:s24], [sflag:$0x2] =	stream.indirect.gather [hbm4b:s2+s10], $0x10, s17, s10, $0xb8;
	[tilespmem:$0x1FC00] =	vst v63  }
0x78: {  	s17 =	sadd.s32 $0x5400, s14  }
0x79: {  	[tilespmem:s1], [sflag:$0x2] =	stream.indirect.gather [hbm4b:s2+s10], $0x10, s17, s10, $0xb8;
	[tilespmem:$0x1FC00] =	vst v63  }
0x7a: {  	s17 =	sadd.s32 $0x5800, s14  }
0x7b: {  	[tilespmem:s29], [sflag:$0x2] =	stream.indirect.gather [hbm4b:s2+s10], $0x10, s17, s10, $0xb8;
	[tilespmem:$0x1FC00] =	vst v63  }
0x7c: {  	s17 =	sadd.s32 $0x5C00, s14  }
0x7d: {  	[tilespmem:s20], [sflag:$0x2] =	stream.indirect.gather [hbm4b:s2+s10], $0x10, s17, s10, $0xb8;
	[tilespmem:$0x1FC00] =	vst v63  }
0x7e: {  	s14 =	sadd.s32 $0x6000, s14  }
0x7f: {  	[tilespmem:s7], [sflag:$0x2] =	stream.indirect.gather [hbm4b:s2+s10], $0x10, s14, s10, $0xb8;
	[tilespmem:$0x1FC00] =	vst v63  }
0x80: {  	_ =	swait.ge [sflag:s8], $0xC800  }
0x81: {  	[sflag:s8] =	ssyncset.done $0x0  }
0x82: {  	s14 =	simm.s32 $0x0;
	[sflag:s8] =	ssyncadd.s32 $0xFFFF3800  }
0x83: {  	v0 =	vld [tilespmem:s14+$0x10C10]  }
0x84: {  	v1 =	vld [tilespmem:s14+$0x11410]  }
0x85: {  	v2 =	vld [tilespmem:s14+$0xEC10]  }
0x86: {  	v3 =	vld [tilespmem:s14+$0xF410]  }
0x87: {  	v4 =	vld [tilespmem:s14+$0xCC10]  }
0x88: {  	v5 =	vld [tilespmem:s14+$0xD410]  }
0x89: {  	v6 =	vld [tilespmem:s14+$0xAC10]  }
0x8a: {  	v7 =	vld [tilespmem:s14+$0xB410]  }
0x8b: {  	v8 =	vld [tilespmem:s14+$0x8C10]  }
0x8c: {  	v9 =	vld [tilespmem:s14+$0x9410]  }
0x8d: {  	v10 =	vld [tilespmem:s14+$0x6C10]  }
0x8e: {  	s16 =	simm.s32 $0x80;
	v11 =	vld [tilespmem:s14+$0x7410]  }
.LBB2_3:
0x8f: {  	p0 =	sne.s32 s16, $0x1F80;
	v12 =	vld [tilespmem:s14+$0x6410]  }
0x90: {  	v13 =	vld [tilespmem:s14+$0x7C10]  }
0x91: {  	v14 =	vld [tilespmem:s14+$0x8410]  }
0x92: {  	v15 =	vld [tilespmem:s14+$0x9C10]  }
0x93: {  	v16 =	vld [tilespmem:s14+$0xA410]  }
0x94: {  	v12 =	vadd.f32 $0.0e+00, v12;
	v17 =	vld [tilespmem:s14+$0xBC10]  }
0x95: {  	v10 =	vadd.f32 $0.0e+00, v10;
	v11 =	vadd.f32 $0.0e+00, v11;
	v18 =	vld [tilespmem:s14+$0xC410]  }
0x96: {  	v13 =	vadd.f32 $0.0e+00, v13;
	v12 =	vadd.f32 v14, v12;
	v14 =	vld [tilespmem:s14+$0xDC10]  }
0x97: {  	v8 =	vadd.f32 v8, v10;
	v9 =	vadd.f32 v9, v11;
	v10 =	vld [tilespmem:s14+$0xE410]  }
0x98: {  	v11 =	vadd.f32 v15, v13;
	v12 =	vadd.f32 v16, v12;
	v13 =	vld [tilespmem:s14+$0xFC10]  }
0x99: {  	v6 =	vadd.f32 v6, v8;
	v7 =	vadd.f32 v7, v9;
	v8 =	vld [tilespmem:s14+$0x10410]  }
0x9a: {  	v9 =	vadd.f32 v17, v11;
	v11 =	vadd.f32 v18, v12;
	v12 =	vld [tilespmem:s14+$0x11C10]  }
0x9b: {  	v4 =	vadd.f32 v4, v6;
	v5 =	vadd.f32 v5, v7;
	v6 =	vld [tilespmem:s14+$0x12410]  }
0x9c: {  	v9 =	vadd.f32 v14, v9;
	v7 =	vld [tilespmem:s14+$0x6400];
	v10 =	vadd.f32 v10, v11  }
0x9d: {  	v2 =	vadd.f32 v2, v4;
	v3 =	vadd.f32 v3, v5;
	v11 =	vld [tilespmem:s14+$0x6C00]  }
0x9e: {  	v5 =	vadd.f32 v13, v9;
	v4 =	vld [tilespmem:s14+$0x7400];
	v8 =	vadd.f32 v8, v10  }
0x9f: {  	v0 =	vadd.f32 v0, v2;
	v1 =	vadd.f32 v1, v3;
	v9 =	vld [tilespmem:s14+$0x7C00]  }
0xa0: {  	v3 =	vadd.f32 v12, v5;
	v2 =	vld [tilespmem:s14+$0x8400];
	v5 =	vadd.f32 v6, v8  }
0xa1: {  	v6 =	vadd.f32 $0.0e+00, v7;
	v7 =	vld [tilespmem:s14+$0x8C00]  }
0xa2: {  	v1 =	vadd.f32 v3, v1;
	v8 =	vld [tilespmem:s14+$0x9400];
	v0 =	vadd.f32 v5, v0  }
0xa3: {  	v3 =	vadd.f32 $0.0e+00, v11;
	v4 =	vadd.f32 $0.0e+00, v4;
	v5 =	vld [tilespmem:s14+$0x9C00]  }
0xa4: {  	v9 =	vadd.f32 $0.0e+00, v9;
	v10 =	vld [tilespmem:s14+$0xA400];
	v0 =	vadd.f32 v0, v1  }
0xa5: {  	v1 =	vadd.f32 v2, v6;
	v2 =	vld [tilespmem:s14+$0xAC00]  }
0xa6: {  	v3 =	vadd.f32 v7, v3;
	v6 =	vld [tilespmem:s14+$0xB400];
	[tilespmem:s14+$0x1F410] =	vst v0  }
0xa7: {  	v0 =	vadd.f32 v8, v4;
	v4 =	vld [tilespmem:s14+$0xBC00]  }
0xa8: {  	v5 =	vadd.f32 v5, v9;
	v7 =	vld [tilespmem:s14+$0xC400]  }
0xa9: {  	v1 =	vadd.f32 v10, v1;
	v8 =	vld [tilespmem:s14+$0xCC00]  }
0xaa: {  	v2 =	vadd.f32 v2, v3;
	v3 =	vld [tilespmem:s14+$0xD400]  }
0xab: {  	v0 =	vadd.f32 v6, v0;
	v6 =	vld [tilespmem:s14+$0xDC00]  }
0xac: {  	v4 =	vadd.f32 v4, v5;
	v5 =	vld [tilespmem:s14+$0xE400]  }
0xad: {  	v1 =	vadd.f32 v7, v1;
	v7 =	vld [tilespmem:s14+$0xEC00]  }
0xae: {  	v2 =	vadd.f32 v8, v2;
	v8 =	vld [tilespmem:s14+$0xF400]  }
0xaf: {  	v0 =	vadd.f32 v3, v0;
	v3 =	vld [tilespmem:s14+$0xFC00]  }
0xb0: {  	v4 =	vadd.f32 v6, v4;
	v6 =	vld [tilespmem:s14+$0x10400]  }
0xb1: {  	v1 =	vadd.f32 v5, v1;
	v5 =	vld [tilespmem:s14+$0x10C00]  }
0xb2: {  	v2 =	vadd.f32 v7, v2;
	v7 =	vld [tilespmem:s14+$0x11400]  }
0xb3: {  	v8 =	vadd.f32 v8, v0;
	v9 =	vld [tilespmem:s14+$0x11C00]  }
0xb4: {  	s17 =	sshra.s32 s16, $0x2;
	v4 =	vadd.f32 v3, v4;
	v10 =	vld [tilespmem:s14+$0x12400]  }
0xb5: {  	v0 =	vld [tilespmem:s17+$0x10C10];
	v6 =	vadd.f32 v6, v1  }
0xb6: {  	v1 =	vld [tilespmem:s17+$0x11410];
	v11 =	vadd.f32 v5, v2  }
0xb7: {  	v2 =	vld [tilespmem:s17+$0xEC10];
	v7 =	vadd.f32 v7, v8  }
0xb8: {  	v3 =	vld [tilespmem:s17+$0xF410];
	v8 =	vadd.f32 v9, v4  }
0xb9: {  	v4 =	vld [tilespmem:s17+$0xCC10];
	v9 =	vadd.f32 v10, v6  }
0xba: {  	v5 =	vld [tilespmem:s17+$0xD410];
	v10 =	vadd.f32 v8, v7  }
0xbb: {  	v6 =	vld [tilespmem:s17+$0xAC10];
	v9 =	vadd.f32 v9, v11  }
.Ltmp0:
0xbc: {  	v7 =	vld [tilespmem:s17+$0xB410];
	(pc) =	sbr.rel @p0 .LBB2_3-.Ltmp0, $4  }
0xbd: {  	v8 =	vld [tilespmem:s17+$0x8C10];
	v11 =	vadd.f32 v9, v10  }
0xbe: {  	v9 =	vld [tilespmem:s17+$0x9410]  }
0xbf: {  	v10 =	vld [tilespmem:s17+$0x6C10];
	[tilespmem:s14+$0x1F400] =	vst v11;
	s14 =	smov.u32 s17  }
0xc0: {  	s16 =	sadd.s32 $0x80, s16;
	v11 =	vld [tilespmem:s14+$0x7410]  }
0xc1: {  	v12 =	vld [tilespmem:s14+$0x6410]  }
0xc2: {  	v13 =	vld [tilespmem:s14+$0x7C10]  }
0xc3: {  	v14 =	vld [tilespmem:s14+$0x8410]  }
0xc4: {  	v15 =	vld [tilespmem:s14+$0x9C10]  }
0xc5: {  	v16 =	vld [tilespmem:s14+$0xA410]  }
0xc6: {  	v17 =	vld [tilespmem:s14+$0xBC10]  }
0xc7: {  	v18 =	vld [tilespmem:s14+$0xC410]  }
0xc8: {  	v19 =	vld [tilespmem:s14+$0xDC10]  }
0xc9: {  	v25 =	vld [tilespmem:s14+$0xE410]  }
0xca: {  	v26 =	vld [tilespmem:s14+$0xFC10]  }
0xcb: {  	v28 =	vld [tilespmem:s14+$0x10410]  }
0xcc: {  	v29 =	vld [tilespmem:s14+$0x11C10]  }
0xcd: {  	v32 =	vld [tilespmem:s14+$0x12410]  }
0xce: {  	v33 =	vld [tilespmem:s14+$0x6400]  }
0xcf: {  	v36 =	vld [tilespmem:s14+$0x6C00]  }
0xd0: {  	v37 =	vld [tilespmem:s14+$0x7400]  }
0xd1: {  	v40 =	vld [tilespmem:s14+$0x7C00];
	v10 =	vadd.f32 $0.0e+00, v10  }
0xd2: {  	v41 =	vld [tilespmem:s14+$0x8400];
	v11 =	vadd.f32 $0.0e+00, v11;
	v12 =	vadd.f32 $0.0e+00, v12  }
0xd3: {  	v44 =	vld [tilespmem:s14+$0x8C00];
	v13 =	vadd.f32 $0.0e+00, v13;
	v8 =	vadd.f32 v8, v10  }
0xd4: {  	v45 =	vld [tilespmem:s14+$0x9400];
	v9 =	vadd.f32 v9, v11;
	v11 =	vadd.f32 $0.0e+00, v36  }
0xd5: {  	v46 =	vld [tilespmem:s14+$0x9C00];
	v12 =	vadd.f32 v14, v12;
	v27 =	vadd.f32 v15, v13  }
0xd6: {  	v47 =	vld [tilespmem:s14+$0xA400];
	v6 =	vadd.f32 v6, v8;
	v7 =	vadd.f32 v7, v9  }
0xd7: {  	v48 =	vld [tilespmem:s14+$0xAC00];
	v9 =	vadd.f32 $0.0e+00, v40;
	v12 =	vadd.f32 v16, v12  }
0xd8: {  	v49 =	vld [tilespmem:s14+$0xB400];
	v30 =	vadd.f32 v17, v27;
	v4 =	vadd.f32 v4, v6  }
0xd9: {  	v50 =	vld [tilespmem:s14+$0xBC00];
	v6 =	vadd.f32 $0.0e+00, v33;
	v31 =	vadd.f32 v18, v12  }
0xda: {  	v51 =	vld [tilespmem:s14+$0xC400];
	v5 =	vadd.f32 v5, v7;
	v7 =	vadd.f32 v44, v11  }
0xdb: {  	v52 =	vld [tilespmem:s14+$0xCC00];
	v34 =	vadd.f32 v19, v30;
	v35 =	vadd.f32 v25, v31  }
0xdc: {  	v53 =	vld [tilespmem:s14+$0xD400];
	v2 =	vadd.f32 v2, v4;
	v3 =	vadd.f32 v3, v5  }
0xdd: {  	v54 =	vld [tilespmem:s14+$0xDC00];
	v38 =	vadd.f32 v26, v34;
	v39 =	vadd.f32 v28, v35  }
0xde: {  	v55 =	vld [tilespmem:s14+$0xE400];
	v0 =	vadd.f32 v0, v2;
	v1 =	vadd.f32 v1, v3  }
0xdf: {  	v56 =	vld [tilespmem:s14+$0xEC00];
	v42 =	vadd.f32 v29, v38;
	v43 =	vadd.f32 v32, v39  }
0xe0: {  	v57 =	vld [tilespmem:s14+$0xF400];
	v4 =	vadd.f32 $0.0e+00, v37;
	v2 =	vadd.f32 v41, v6  }
0xe1: {  	v58 =	vld [tilespmem:s14+$0xFC00];
	v1 =	vadd.f32 v42, v1;
	v0 =	vadd.f32 v43, v0  }
0xe2: {  	v59 =	vld [tilespmem:s14+$0x10400];
	v4 =	vadd.f32 v45, v4;
	v2 =	vadd.f32 v47, v2  }
0xe3: {  	v60 =	vld [tilespmem:s14+$0x10C00];
	v3 =	vadd.f32 v46, v9;
	v0 =	vadd.f32 v0, v1  }
0xe4: {  	v61 =	vld [tilespmem:s14+$0x11400];
	v4 =	vadd.f32 v49, v4;
	v2 =	vadd.f32 v51, v2  }
0xe5: {  	v63 =	vld [tilespmem:s14+$0x12400];
	v1 =	vadd.f32 v48, v7;
	[tilespmem:s14+$0x1F410] =	vst v0;
	v0 =	vadd.f32 v50, v3  }
0xe6: {  	v62 =	vld [tilespmem:s14+$0x11C00];
	v4 =	vadd.f32 v53, v4;
	v2 =	vadd.f32 v55, v2  }
0xe7: {  	v1 =	vadd.f32 v52, v1;
	v0 =	vadd.f32 v54, v0  }
0xe8: {  	v4 =	vadd.f32 v57, v4;
	v2 =	vadd.f32 v59, v2  }
0xe9: {  	v1 =	vadd.f32 v56, v1;
	v0 =	vadd.f32 v58, v0  }
0xea: {  	v4 =	vadd.f32 v61, v4;
	v2 =	vadd.f32 v63, v2  }
0xeb: {  	v1 =	vadd.f32 v60, v1;
	v0 =	vadd.f32 v62, v0;
	_ =	sdelay $0x1  }
0xec: {  	v1 =	vadd.f32 v2, v1;
	v0 =	vadd.f32 v0, v4;
	_ =	sdelay $0x1  }
0xed: {  	v0 =	vadd.f32 v1, v0  }
0xee: {  	s16 =	sshll.u32 s11, $0x9;
	p0 =	seq.s32 s11, $0x3  }
.Ltmp1:
0xef: {  	s17 =	sadd.s32 s16, s5;
	[tilespmem:s14+$0x1F400] =	vst v0;
	(pc) =	sbr.rel @p0 .LBB2_6-.Ltmp1, $4  }
0xf0: {  	[hbm4b:s17+s3] =	stream.linear.scatter [tilespmem:s4], [sflag:$0x4], $0x800, $0x38;
	[tilespmem:$0x1FC00] =	vst v63  }
0xf1: {  	_ =	swait.ge [sflag:s6], $0x800  }
0xf2: {  	[sflag:s6] =	ssyncset.done $0x0  }
0xf3: {  	[sflag:s6] =	ssyncadd.s32 $0xFFFFF800  }
0xf4: {  	s14 =	sshll.u32 s11, $0x8  }
0xf5: {  	s14 =	sand.u32 $0x3FFFFF00, s14  }
0xf6: {  	s17 =	simm.s32 $0x6400;
	s16 =	sadd.s32 $0x100, s14  }
0xf7: {  	[tilespmem:s17], [sflag:$0x1] =	stream.indirect.gather [hbm4b:s2+s10], $0x10, s16, s10, $0xb8;
	[tilespmem:$0x1FC00] =	vst v63  }
0xf8: {  	s16 =	sadd.s32 $0x500, s14;
	s17 =	simm.s32 $0x6C00  }
0xf9: {  	[tilespmem:s17], [sflag:$0x1] =	stream.indirect.gather [hbm4b:s2+s10], $0x10, s16, s10, $0xb8;
	[tilespmem:$0x1FC00] =	vst v63  }
0xfa: {  	s16 =	sadd.s32 $0x900, s14;
	s17 =	simm.s32 $0x7400  }
0xfb: {  	[tilespmem:s17], [sflag:$0x1] =	stream.indirect.gather [hbm4b:s2+s10], $0x10, s16, s10, $0xb8;
	[tilespmem:$0x1FC00] =	vst v63  }
0xfc: {  	s16 =	sadd.s32 $0xD00, s14;
	s17 =	simm.s32 $0x7C00  }
0xfd: {  	[tilespmem:s17], [sflag:$0x1] =	stream.indirect.gather [hbm4b:s2+s10], $0x10, s16, s10, $0xb8;
	[tilespmem:$0x1FC00] =	vst v63  }
0xfe: {  	s16 =	sadd.s32 $0x1100, s14;
	s17 =	simm.s32 $0x8400  }
0xff: {  	[tilespmem:s17], [sflag:$0x1] =	stream.indirect.gather [hbm4b:s2+s10], $0x10, s16, s10, $0xb8;
	[tilespmem:$0x1FC00] =	vst v63  }
0x100: {  	s16 =	sadd.s32 $0x1500, s14;
	s17 =	simm.s32 $0x8C00  }
0x101: {  	[tilespmem:s17], [sflag:$0x1] =	stream.indirect.gather [hbm4b:s2+s10], $0x10, s16, s10, $0xb8;
	[tilespmem:$0x1FC00] =	vst v63  }
0x102: {  	s16 =	sadd.s32 $0x1900, s14;
	s17 =	simm.s32 $0x9400  }
0x103: {  	[tilespmem:s17], [sflag:$0x1] =	stream.indirect.gather [hbm4b:s2+s10], $0x10, s16, s10, $0xb8;
	[tilespmem:$0x1FC00] =	vst v63  }
0x104: {  	s16 =	sadd.s32 $0x1D00, s14;
	s17 =	simm.s32 $0x9C00  }
0x105: {  	[tilespmem:s17], [sflag:$0x1] =	stream.indirect.gather [hbm4b:s2+s10], $0x10, s16, s10, $0xb8;
	[tilespmem:$0x1FC00] =	vst v63  }
0x106: {  	s16 =	sadd.s32 $0x2100, s14;
	s17 =	simm.s32 $0xA400  }
0x107: {  	[tilespmem:s17], [sflag:$0x1] =	stream.indirect.gather [hbm4b:s2+s10], $0x10, s16, s10, $0xb8;
	[tilespmem:$0x1FC00] =	vst v63  }
0x108: {  	s16 =	sadd.s32 $0x2500, s14;
	s17 =	simm.s32 $0xAC00  }
0x109: {  	[tilespmem:s17], [sflag:$0x1] =	stream.indirect.gather [hbm4b:s2+s10], $0x10, s16, s10, $0xb8;
	[tilespmem:$0x1FC00] =	vst v63  }
0x10a: {  	s16 =	sadd.s32 $0x2900, s14;
	s17 =	simm.s32 $0xB400  }
0x10b: {  	[tilespmem:s17], [sflag:$0x1] =	stream.indirect.gather [hbm4b:s2+s10], $0x10, s16, s10, $0xb8;
	[tilespmem:$0x1FC00] =	vst v63  }
0x10c: {  	s16 =	sadd.s32 $0x2D00, s14;
	s17 =	simm.s32 $0xBC00  }
0x10d: {  	[tilespmem:s17], [sflag:$0x1] =	stream.indirect.gather [hbm4b:s2+s10], $0x10, s16, s10, $0xb8;
	[tilespmem:$0x1FC00] =	vst v63  }
0x10e: {  	s16 =	sadd.s32 $0x3100, s14;
	s17 =	simm.s32 $0xC400  }
0x10f: {  	[tilespmem:s17], [sflag:$0x1] =	stream.indirect.gather [hbm4b:s2+s10], $0x10, s16, s10, $0xb8;
	[tilespmem:$0x1FC00] =	vst v63  }
0x110: {  	s16 =	sadd.s32 $0x3500, s14;
	s17 =	simm.s32 $0xCC00  }
0x111: {  	[tilespmem:s17], [sflag:$0x1] =	stream.indirect.gather [hbm4b:s2+s10], $0x10, s16, s10, $0xb8;
	[tilespmem:$0x1FC00] =	vst v63  }
0x112: {  	s16 =	sadd.s32 $0x3900, s14;
	s17 =	simm.s32 $0xD400  }
0x113: {  	[tilespmem:s17], [sflag:$0x1] =	stream.indirect.gather [hbm4b:s2+s10], $0x10, s16, s10, $0xb8;
	[tilespmem:$0x1FC00] =	vst v63  }
0x114: {  	s16 =	sadd.s32 $0x3D00, s14;
	s17 =	simm.s32 $0xDC00  }
0x115: {  	[tilespmem:s17], [sflag:$0x1] =	stream.indirect.gather [hbm4b:s2+s10], $0x10, s16, s10, $0xb8;
	[tilespmem:$0x1FC00] =	vst v63  }
0x116: {  	s16 =	sadd.s32 $0x4100, s14;
	s17 =	simm.s32 $0xE400  }
0x117: {  	[tilespmem:s17], [sflag:$0x1] =	stream.indirect.gather [hbm4b:s2+s10], $0x10, s16, s10, $0xb8;
	[tilespmem:$0x1FC00] =	vst v63  }
0x118: {  	s16 =	sadd.s32 $0x4500, s14;
	s17 =	simm.s32 $0xEC00  }
0x119: {  	[tilespmem:s17], [sflag:$0x1] =	stream.indirect.gather [hbm4b:s2+s10], $0x10, s16, s10, $0xb8;
	[tilespmem:$0x1FC00] =	vst v63  }
0x11a: {  	s16 =	sadd.s32 $0x4900, s14;
	s17 =	simm.s32 $0xF400  }
0x11b: {  	[tilespmem:s17], [sflag:$0x1] =	stream.indirect.gather [hbm4b:s2+s10], $0x10, s16, s10, $0xb8;
	[tilespmem:$0x1FC00] =	vst v63  }
0x11c: {  	s16 =	sadd.s32 $0x4D00, s14;
	s17 =	simm.s32 $0xFC00  }
0x11d: {  	[tilespmem:s17], [sflag:$0x1] =	stream.indirect.gather [hbm4b:s2+s10], $0x10, s16, s10, $0xb8;
	[tilespmem:$0x1FC00] =	vst v63  }
0x11e: {  	s16 =	sadd.s32 $0x5100, s14;
	s17 =	simm.s32 $0x10400  }
0x11f: {  	[tilespmem:s17], [sflag:$0x1] =	stream.indirect.gather [hbm4b:s2+s10], $0x10, s16, s10, $0xb8;
	[tilespmem:$0x1FC00] =	vst v63  }
0x120: {  	s16 =	sadd.s32 $0x5500, s14;
	s17 =	simm.s32 $0x10C00  }
0x121: {  	[tilespmem:s17], [sflag:$0x1] =	stream.indirect.gather [hbm4b:s2+s10], $0x10, s16, s10, $0xb8;
	[tilespmem:$0x1FC00] =	vst v63  }
0x122: {  	s16 =	sadd.s32 $0x5900, s14;
	s17 =	simm.s32 $0x11400  }
0x123: {  	[tilespmem:s17], [sflag:$0x1] =	stream.indirect.gather [hbm4b:s2+s10], $0x10, s16, s10, $0xb8;
	[tilespmem:$0x1FC00] =	vst v63  }
0x124: {  	s16 =	sadd.s32 $0x5D00, s14;
	s17 =	simm.s32 $0x11C00  }
0x125: {  	[tilespmem:s17], [sflag:$0x1] =	stream.indirect.gather [hbm4b:s2+s10], $0x10, s16, s10, $0xb8;
	[tilespmem:$0x1FC00] =	vst v63  }
0x126: {  	s14 =	sadd.s32 $0x6100, s14;
	s17 =	simm.s32 $0x12400  }
0x127: {  	[tilespmem:s17], [sflag:$0x1] =	stream.indirect.gather [hbm4b:s2+s10], $0x10, s14, s10, $0xb8;
	[tilespmem:$0x1FC00] =	vst v63  }
.LBB2_6:
0x128: {  	_ =	swait.ge [sflag:s9], $0xC800  }
0x129: {  	[sflag:s9] =	ssyncset.done $0x0  }
0x12a: {  	s14 =	simm.s32 $0x0;
	[sflag:s9] =	ssyncadd.s32 $0xFFFF3800  }
0x12b: {  	v0 =	vld [tilespmem:s14+$0x1D410]  }
0x12c: {  	v1 =	vld [tilespmem:s14+$0x1DC10]  }
0x12d: {  	v2 =	vld [tilespmem:s14+$0x1B410]  }
0x12e: {  	v3 =	vld [tilespmem:s14+$0x1BC10]  }
0x12f: {  	v4 =	vld [tilespmem:s14+$0x19410]  }
0x130: {  	v5 =	vld [tilespmem:s14+$0x19C10]  }
0x131: {  	v6 =	vld [tilespmem:s14+$0x17410]  }
0x132: {  	v7 =	vld [tilespmem:s14+$0x17C10]  }
0x133: {  	v8 =	vld [tilespmem:s14+$0x15410]  }
0x134: {  	v9 =	vld [tilespmem:s14+$0x15C10]  }
0x135: {  	v10 =	vld [tilespmem:s14+$0x13410]  }
0x136: {  	s16 =	simm.s32 $0x80;
	v11 =	vld [tilespmem:s14+$0x13C10]  }
.LBB2_7:
0x137: {  	p0 =	sne.s32 s16, $0x1F80;
	v12 =	vld [tilespmem:s14+$0x12C10]  }
0x138: {  	v13 =	vld [tilespmem:s14+$0x14410]  }
0x139: {  	v14 =	vld [tilespmem:s14+$0x14C10]  }
0x13a: {  	v15 =	vld [tilespmem:s14+$0x16410]  }
0x13b: {  	v16 =	vld [tilespmem:s14+$0x16C10]  }
0x13c: {  	v12 =	vadd.f32 $0.0e+00, v12;
	v17 =	vld [tilespmem:s14+$0x18410]  }
0x13d: {  	v10 =	vadd.f32 $0.0e+00, v10;
	v11 =	vadd.f32 $0.0e+00, v11;
	v18 =	vld [tilespmem:s14+$0x18C10]  }
0x13e: {  	v13 =	vadd.f32 $0.0e+00, v13;
	v12 =	vadd.f32 v14, v12;
	v14 =	vld [tilespmem:s14+$0x1A410]  }
0x13f: {  	v8 =	vadd.f32 v8, v10;
	v9 =	vadd.f32 v9, v11;
	v10 =	vld [tilespmem:s14+$0x1AC10]  }
0x140: {  	v11 =	vadd.f32 v15, v13;
	v12 =	vadd.f32 v16, v12;
	v13 =	vld [tilespmem:s14+$0x1C410]  }
0x141: {  	v6 =	vadd.f32 v6, v8;
	v7 =	vadd.f32 v7, v9;
	v8 =	vld [tilespmem:s14+$0x1CC10]  }
0x142: {  	v9 =	vadd.f32 v17, v11;
	v11 =	vadd.f32 v18, v12;
	v12 =	vld [tilespmem:s14+$0x1E410]  }
0x143: {  	v4 =	vadd.f32 v4, v6;
	v5 =	vadd.f32 v5, v7;
	v6 =	vld [tilespmem:s14+$0x1EC10]  }
0x144: {  	v9 =	vadd.f32 v14, v9;
	v7 =	vld [tilespmem:s14+$0x12C00];
	v10 =	vadd.f32 v10, v11  }
0x145: {  	v2 =	vadd.f32 v2, v4;
	v3 =	vadd.f32 v3, v5;
	v11 =	vld [tilespmem:s14+$0x13400]  }
0x146: {  	v5 =	vadd.f32 v13, v9;
	v4 =	vld [tilespmem:s14+$0x13C00];
	v8 =	vadd.f32 v8, v10  }
0x147: {  	v0 =	vadd.f32 v0, v2;
	v1 =	vadd.f32 v1, v3;
	v9 =	vld [tilespmem:s14+$0x14400]  }
0x148: {  	v3 =	vadd.f32 v12, v5;
	v2 =	vld [tilespmem:s14+$0x14C00];
	v5 =	vadd.f32 v6, v8  }
0x149: {  	v6 =	vadd.f32 $0.0e+00, v7;
	v7 =	vld [tilespmem:s14+$0x15400]  }
0x14a: {  	v1 =	vadd.f32 v3, v1;
	v8 =	vld [tilespmem:s14+$0x15C00];
	v0 =	vadd.f32 v5, v0  }
0x14b: {  	v3 =	vadd.f32 $0.0e+00, v11;
	v4 =	vadd.f32 $0.0e+00, v4;
	v5 =	vld [tilespmem:s14+$0x16400]  }
0x14c: {  	v9 =	vadd.f32 $0.0e+00, v9;
	v10 =	vld [tilespmem:s14+$0x16C00];
	v0 =	vadd.f32 v0, v1  }
0x14d: {  	v1 =	vadd.f32 v2, v6;
	v2 =	vld [tilespmem:s14+$0x17400]  }
0x14e: {  	v3 =	vadd.f32 v7, v3;
	v6 =	vld [tilespmem:s14+$0x17C00];
	[tilespmem:s14+$0x1F410] =	vst v0  }
0x14f: {  	v0 =	vadd.f32 v8, v4;
	v4 =	vld [tilespmem:s14+$0x18400]  }
0x150: {  	v5 =	vadd.f32 v5, v9;
	v7 =	vld [tilespmem:s14+$0x18C00]  }
0x151: {  	v1 =	vadd.f32 v10, v1;
	v8 =	vld [tilespmem:s14+$0x19400]  }
0x152: {  	v2 =	vadd.f32 v2, v3;
	v3 =	vld [tilespmem:s14+$0x19C00]  }
0x153: {  	v0 =	vadd.f32 v6, v0;
	v6 =	vld [tilespmem:s14+$0x1A400]  }
0x154: {  	v4 =	vadd.f32 v4, v5;
	v5 =	vld [tilespmem:s14+$0x1AC00]  }
0x155: {  	v1 =	vadd.f32 v7, v1;
	v7 =	vld [tilespmem:s14+$0x1B400]  }
0x156: {  	v2 =	vadd.f32 v8, v2;
	v8 =	vld [tilespmem:s14+$0x1BC00]  }
0x157: {  	v0 =	vadd.f32 v3, v0;
	v3 =	vld [tilespmem:s14+$0x1C400]  }
0x158: {  	v4 =	vadd.f32 v6, v4;
	v6 =	vld [tilespmem:s14+$0x1CC00]  }
0x159: {  	v1 =	vadd.f32 v5, v1;
	v5 =	vld [tilespmem:s14+$0x1D400]  }
0x15a: {  	v2 =	vadd.f32 v7, v2;
	v7 =	vld [tilespmem:s14+$0x1DC00]  }
0x15b: {  	v8 =	vadd.f32 v8, v0;
	v9 =	vld [tilespmem:s14+$0x1E400]  }
0x15c: {  	s17 =	sshra.s32 s16, $0x2;
	v4 =	vadd.f32 v3, v4;
	v10 =	vld [tilespmem:s14+$0x1EC00]  }
0x15d: {  	v0 =	vld [tilespmem:s17+$0x1D410];
	v6 =	vadd.f32 v6, v1  }
0x15e: {  	v1 =	vld [tilespmem:s17+$0x1DC10];
	v11 =	vadd.f32 v5, v2  }
0x15f: {  	v2 =	vld [tilespmem:s17+$0x1B410];
	v7 =	vadd.f32 v7, v8  }
0x160: {  	v3 =	vld [tilespmem:s17+$0x1BC10];
	v8 =	vadd.f32 v9, v4  }
0x161: {  	v4 =	vld [tilespmem:s17+$0x19410];
	v9 =	vadd.f32 v10, v6  }
0x162: {  	v5 =	vld [tilespmem:s17+$0x19C10];
	v10 =	vadd.f32 v8, v7  }
0x163: {  	v6 =	vld [tilespmem:s17+$0x17410];
	v9 =	vadd.f32 v9, v11  }
.Ltmp2:
0x164: {  	v7 =	vld [tilespmem:s17+$0x17C10];
	(pc) =	sbr.rel @p0 .LBB2_7-.Ltmp2, $4  }
0x165: {  	v8 =	vld [tilespmem:s17+$0x15410];
	v11 =	vadd.f32 v9, v10  }
0x166: {  	v9 =	vld [tilespmem:s17+$0x15C10]  }
0x167: {  	v10 =	vld [tilespmem:s17+$0x13410];
	[tilespmem:s14+$0x1F400] =	vst v11;
	s14 =	smov.u32 s17  }
0x168: {  	s16 =	sadd.s32 $0x80, s16;
	v11 =	vld [tilespmem:s14+$0x13C10]  }
0x169: {  	v12 =	vld [tilespmem:s14+$0x12C10]  }
0x16a: {  	v13 =	vld [tilespmem:s14+$0x14410]  }
0x16b: {  	v14 =	vld [tilespmem:s14+$0x14C10]  }
0x16c: {  	v15 =	vld [tilespmem:s14+$0x16410]  }
0x16d: {  	v16 =	vld [tilespmem:s14+$0x16C10]  }
0x16e: {  	v17 =	vld [tilespmem:s14+$0x18410]  }
0x16f: {  	v18 =	vld [tilespmem:s14+$0x18C10]  }
0x170: {  	v19 =	vld [tilespmem:s14+$0x1A410]  }
0x171: {  	v25 =	vld [tilespmem:s14+$0x1AC10]  }
0x172: {  	v26 =	vld [tilespmem:s14+$0x1C410]  }
0x173: {  	v28 =	vld [tilespmem:s14+$0x1CC10]  }
0x174: {  	v29 =	vld [tilespmem:s14+$0x1E410]  }
0x175: {  	v32 =	vld [tilespmem:s14+$0x1EC10]  }
0x176: {  	v33 =	vld [tilespmem:s14+$0x12C00]  }
0x177: {  	v36 =	vld [tilespmem:s14+$0x13400]  }
0x178: {  	v37 =	vld [tilespmem:s14+$0x13C00]  }
0x179: {  	v40 =	vld [tilespmem:s14+$0x14400];
	v10 =	vadd.f32 $0.0e+00, v10  }
0x17a: {  	v41 =	vld [tilespmem:s14+$0x14C00];
	v11 =	vadd.f32 $0.0e+00, v11;
	v12 =	vadd.f32 $0.0e+00, v12  }
0x17b: {  	v44 =	vld [tilespmem:s14+$0x15400];
	v13 =	vadd.f32 $0.0e+00, v13;
	v8 =	vadd.f32 v8, v10  }
0x17c: {  	v45 =	vld [tilespmem:s14+$0x15C00];
	v9 =	vadd.f32 v9, v11;
	v11 =	vadd.f32 $0.0e+00, v36  }
0x17d: {  	v46 =	vld [tilespmem:s14+$0x16400];
	v12 =	vadd.f32 v14, v12;
	v27 =	vadd.f32 v15, v13  }
0x17e: {  	v47 =	vld [tilespmem:s14+$0x16C00];
	v6 =	vadd.f32 v6, v8;
	v7 =	vadd.f32 v7, v9  }
0x17f: {  	v48 =	vld [tilespmem:s14+$0x17400];
	v9 =	vadd.f32 $0.0e+00, v40;
	v12 =	vadd.f32 v16, v12  }
0x180: {  	v49 =	vld [tilespmem:s14+$0x17C00];
	v30 =	vadd.f32 v17, v27;
	v4 =	vadd.f32 v4, v6  }
0x181: {  	v50 =	vld [tilespmem:s14+$0x18400];
	v6 =	vadd.f32 $0.0e+00, v33;
	v31 =	vadd.f32 v18, v12  }
0x182: {  	v51 =	vld [tilespmem:s14+$0x18C00];
	v5 =	vadd.f32 v5, v7;
	v7 =	vadd.f32 v44, v11  }
0x183: {  	v52 =	vld [tilespmem:s14+$0x19400];
	v34 =	vadd.f32 v19, v30;
	v35 =	vadd.f32 v25, v31  }
0x184: {  	v53 =	vld [tilespmem:s14+$0x19C00];
	v2 =	vadd.f32 v2, v4;
	v3 =	vadd.f32 v3, v5  }
0x185: {  	v54 =	vld [tilespmem:s14+$0x1A400];
	v38 =	vadd.f32 v26, v34;
	v39 =	vadd.f32 v28, v35  }
0x186: {  	v55 =	vld [tilespmem:s14+$0x1AC00];
	v0 =	vadd.f32 v0, v2;
	v1 =	vadd.f32 v1, v3  }
0x187: {  	v56 =	vld [tilespmem:s14+$0x1B400];
	v42 =	vadd.f32 v29, v38;
	v43 =	vadd.f32 v32, v39  }
0x188: {  	v57 =	vld [tilespmem:s14+$0x1BC00];
	v4 =	vadd.f32 $0.0e+00, v37;
	v2 =	vadd.f32 v41, v6  }
0x189: {  	v58 =	vld [tilespmem:s14+$0x1C400];
	v1 =	vadd.f32 v42, v1;
	v0 =	vadd.f32 v43, v0  }
0x18a: {  	v59 =	vld [tilespmem:s14+$0x1CC00];
	v4 =	vadd.f32 v45, v4;
	v2 =	vadd.f32 v47, v2  }
0x18b: {  	v60 =	vld [tilespmem:s14+$0x1D400];
	v3 =	vadd.f32 v46, v9;
	v0 =	vadd.f32 v0, v1  }
0x18c: {  	v61 =	vld [tilespmem:s14+$0x1DC00];
	v4 =	vadd.f32 v49, v4;
	v2 =	vadd.f32 v51, v2  }
0x18d: {  	v63 =	vld [tilespmem:s14+$0x1EC00];
	v1 =	vadd.f32 v48, v7;
	[tilespmem:s14+$0x1F410] =	vst v0;
	v0 =	vadd.f32 v50, v3  }
0x18e: {  	v62 =	vld [tilespmem:s14+$0x1E400];
	v4 =	vadd.f32 v53, v4;
	v2 =	vadd.f32 v55, v2  }
0x18f: {  	v1 =	vadd.f32 v52, v1;
	v0 =	vadd.f32 v54, v0  }
0x190: {  	v4 =	vadd.f32 v57, v4;
	v2 =	vadd.f32 v59, v2  }
0x191: {  	v1 =	vadd.f32 v56, v1;
	v0 =	vadd.f32 v58, v0  }
0x192: {  	v4 =	vadd.f32 v61, v4;
	v2 =	vadd.f32 v63, v2  }
0x193: {  	v1 =	vadd.f32 v60, v1;
	v0 =	vadd.f32 v62, v0;
	_ =	sdelay $0x1  }
0x194: {  	v1 =	vadd.f32 v2, v1;
	v0 =	vadd.f32 v0, v4;
	_ =	sdelay $0x1  }
0x195: {  	s11 =	sadd.s32 $0x1, s11;
	v0 =	vadd.f32 v1, v0  }
0x196: {  	s12 =	sshll.u32 s12, $0x8;
	p0 =	sne.s32 s11, $0x4  }
.Ltmp3:
0x197: {  	s12 =	sadd.s32 s12, s5;
	[tilespmem:s14+$0x1F400] =	vst v0;
	(pc) =	sbr.rel @p0 .LBB2_2-.Ltmp3, $4  }
0x198: {  	[hbm4b:s12+s3] =	stream.linear.scatter [tilespmem:s4], [sflag:$0x4], $0x800, $0x38;
	[tilespmem:$0x1FC00] =	vst v63  }
0x199: {  	_ =	swait.ge [sflag:s6], $0x800  }
0x19a: {  	[sflag:s6] =	ssyncset.done $0x0  }
0x19b: {  	[sflag:s6] =	ssyncadd.s32 $0xFFFFF800  }
0x19c: {  	s12 =	rddreg [dreg:$0x5]  }
0x19d: {  	s11 =	rddreg [dreg:$0x4];
	s12 =	sadd.s32 $0x1, s12  }
0x19e: {  	p0 =	sne.s32 s12, s11  }
.Ltmp4:
0x19f: {  	_ = 	snop;
	(pc) =	sbr.rel @p0 .LBB2_1-.Ltmp4, $1  }
0x1a0: {  	_ =	sdelay $0x3  }
0x1a1: {  	_ =	sfence.sel $0x180000  }
0x1a2: {  	[bflag:$0x0] =	sbarrier.arrive $0xFFFF  }
0x1a3: {  	_ =	strace $0x90000047  }
0x1a4: {  	s0 =	stileid.u32;
	[bflag:$0x2] =	sbarrier.arrive $0xFFFF  }
0x1a5: {  	p0 =	sne.s32 s0, $0x0;
	s0 =	rddreg [dreg:$0x2]  }
0x1a6: {  	s0 =	sadd.s32 @!p0 $0x100000, s0  }
0x1a7: {  	[sflag:s0] =	ssyncadd.tile.s32 @!p0 $0x1;
	_ =	shalt  }
.Lfunc_end2:
_tile_overlayer_lowered:
.L_overlay_start_2:
0x1a8: {  	(tag) =	ssettag $0x2  }
0x1a9: {  	s0 =	rddreg [dreg:$0x0];
	s2 =	stileid.u32  }
0x1aa: {  	s1 =	rddreg [dreg:$0x1];
	p0 =	sne.s32 s2, $0x0  }
0x1ab: {  	s3 =	rddreg [dreg:$0x2];
	[bflag:$0x3] =	sbarrier.arrive $0xFFFF;
	s2 =	simm.s32 @!p0 $0x1C04  }
0x1ac: {  	[timem:s3], [sflag:s2] =	dma.local @!p0 [hbm:s0], s1  }
0x1ad: {  	s0 =	simm.s32 @!p0 $0x4  }
0x1ae: {  	_ =	swait.ge @!p0 [sflag:s0], s1  }
0x1af: {  	s1 =	ssub.s32 @!p0 $0x0, s1;
	[sflag:s0] =	ssyncset.done @!p0 $0x0  }
0x1b0: {  	[sflag:s0] =	ssyncadd.s32 @!p0 s1  }
0x1b1: {  	[bflag:$0x3] =	sbarrier.arrive $0xFFFF  }
0x1b2: {  	_ =	shalt  }

</sc_bundles>
